<compile_context>
chip_gen: v7x
topology: tpu7x:2x2x1
jax: 0.10.2.dev20260603
libtpu: 0.0.44.dev20260713+nightly
codegen_flags: <defaults>
</compile_context>

<pallas_src>
import functools

import jax
import jax.numpy as jnp
from jax import lax
from jax.experimental import pallas as pl
from jax.experimental.pallas import tpu as pltpu
from jax.experimental.pallas import tpu_sc as plsc

_EPS = 1e-12
_LANES = 128
_SUB = 8
_NW = 32
_CHUNK = 25
_DEPTH = 4


def _prep_body(lab_ref, emb_ref, w_ref, b_ref, st_ref, pat_ref):
    tab = emb_ref[...]
    mean = jnp.mean(tab, axis=-1, keepdims=True)
    var = jnp.mean(jnp.square(tab - mean), axis=-1, keepdims=True)
    nt = (tab - mean) / jnp.sqrt(var + _EPS) * w_ref[...][None, :] + b_ref[...][None, :]
    d = tab.shape[1]
    ntp = jnp.concatenate([nt, jnp.zeros((2, _LANES - d), jnp.float32)], axis=1)

    p_io = lax.broadcasted_iota(jnp.int32, st_ref.shape, 0) & 255
    s_io = lax.broadcasted_iota(jnp.int32, st_ref.shape, 1)
    bit = (p_io >> s_io) & 1
    st_ref[...] = jnp.where(bit == 1, ntp[1][None, None, :], ntp[0][None, None, :])

    labf = lab_ref[...].astype(jnp.float32)
    k_dim = labf.shape[1]
    d_io = lax.broadcasted_iota(jnp.int32, (k_dim, _LANES), 0)
    c_io = lax.broadcasted_iota(jnp.int32, (k_dim, _LANES), 1)
    w_bits = jnp.where((d_io >> 3) == c_io, 1 << (d_io & 7), 0).astype(jnp.float32)
    pat = jnp.dot(labf, w_bits, preferred_element_type=jnp.float32)
    pat_ref[...] = pat.astype(jnp.int32)


def _make_sc_kernel(n, s, d):
    n_grp = s // _SUB
    n_tiles = n * n_grp
    tiles_per_w = n_tiles // _NW
    prows_per_w = tiles_per_w // _LANES
    n_chunks = tiles_per_w // _CHUNK
    mesh = plsc.VectorSubcoreMesh(core_axis_name="c", subcore_axis_name="s")

    @functools.partial(
        pl.kernel,
        out_type=jax.ShapeDtypeStruct((n_tiles, _SUB, _LANES), jnp.float32),
        mesh=mesh,
        compiler_params=pltpu.CompilerParams(needs_layout_passes=False),
        scratch_types=[
            pltpu.VMEM((prows_per_w, _LANES), jnp.int32),
            pltpu.VMEM((1, 32), jnp.int32),
            pltpu.VMEM((_DEPTH, 32), jnp.int32),
            pltpu.VMEM((_CHUNK, _SUB, _LANES), jnp.float32),
            pltpu.VMEM((_CHUNK, _SUB, _LANES), jnp.float32),
            pltpu.VMEM((_CHUNK, _SUB, _LANES), jnp.float32),
            pltpu.VMEM((_CHUNK, _SUB, _LANES), jnp.float32),
            pltpu.VMEM_SHARED((256, _SUB, _LANES), jnp.float32),
            pltpu.SemaphoreType.DMA,
            pltpu.SemaphoreType.DMA,
            pltpu.SemaphoreType.DMA,
            pltpu.SemaphoreType.DMA,
            pltpu.SemaphoreType.DMA,
            pltpu.SemaphoreType.DMA,
            pltpu.SemaphoreType.DMA,
            pltpu.SemaphoreType.DMA,
        ],
    )
    def sc_kernel(st_hbm, pat_hbm, out_hbm, patvm, ridx_v, tidx_v,
                  buf0, buf1, buf2, buf3, st_sh,
                  g0, g1, g2, g3, o0, o1, o2, o3):
        cid = lax.axis_index("c")
        sid = lax.axis_index("s")
        wid = sid * 2 + cid
        bufs = (buf0, buf1, buf2, buf3)
        gsems = (g0, g1, g2, g3)
        osems = (o0, o1, o2, o3)

        pltpu.sync_copy(st_hbm.at[pl.ds(sid * 16, 16)], buf0.at[pl.ds(0, 16)])
        pltpu.sync_copy(buf0.at[pl.ds(0, 16)], st_sh.at[pl.ds(sid * 16, 16)])
        plsc.subcore_barrier()

        for m in range(2):
            ridx_v[0, pl.ds(m * 16, 16)] = jnp.minimum(
                lax.iota(jnp.int32, 16) + (wid * prows_per_w + m * 16),
                n_tiles // _LANES - 1)
        pltpu.async_copy(
            pat_hbm.at[ridx_v.at[0, pl.ds(0, prows_per_w)]], patvm, g0).wait()

        def compute_idx(c, p):
            for m in range(2):
                pos = lax.iota(jnp.int32, 16) + (c * _CHUNK + m * 16)
                pos = jnp.minimum(pos, tiles_per_w - 1)
                pq = plsc.load_gather(patvm, [pos >> 7, pos & 127])
                tidx_v[p, pl.ds(m * 16, 16)] = pq

        def gather_copy(p):
            return pltpu.make_async_copy(
                st_sh.at[tidx_v.at[p, pl.ds(0, _CHUNK)]], bufs[p], gsems[p])

        def scatter_copy(c, p):
            return pltpu.make_async_copy(
                bufs[p],
                out_hbm.at[pl.ds(wid * tiles_per_w + c * _CHUNK, _CHUNK)],
                osems[p])

        def step(c, p, wait_slot, do_gather, do_scatter):
            if wait_slot:
                scatter_copy(c - _DEPTH, p).wait()
            if do_gather:
                compute_idx(c, p)
                gather_copy(p).start()
            if do_scatter:
                p2 = (p + 2) % _DEPTH
                gather_copy(p2).wait()
                scatter_copy(c - 2, p2).start()

        step(0, 0, False, True, False)
        step(1, 1, False, True, False)
        step(2, 2, False, True, True)
        step(3, 3, False, True, True)

        def body(k, _):
            c0 = _DEPTH * k
            step(c0, 0, True, True, True)
            step(c0 + 1, 1, True, True, True)
            step(c0 + 2, 2, True, True, True)
            step(c0 + 3, 3, True, True, True)
            return ()

        lax.fori_loop(1, n_chunks // _DEPTH, body, ())

        step(n_chunks, 0, False, False, True)
        step(n_chunks + 1, 1, False, False, True)
        for c in range(n_chunks - _DEPTH, n_chunks):
            scatter_copy(c, c % _DEPTH).wait()

    return sc_kernel


def kernel(label_input, word_embeddings, ln_weight, ln_bias):
    n, s = label_input.shape
    _, d = word_embeddings.shape
    n_grp = s // _SUB
    lab2 = label_input.reshape(n * n_grp // _LANES, _SUB * _LANES)
    st, pat = pl.pallas_call(
        _prep_body,
        out_shape=[
            jax.ShapeDtypeStruct((256, _SUB, _LANES), jnp.float32),
            jax.ShapeDtypeStruct((n * n_grp // _LANES, _LANES), jnp.int32),
        ],
    )(lab2, word_embeddings, ln_weight, ln_bias)
    out = _make_sc_kernel(n, s, d)(st, pat)
    return out.reshape(n, s, _LANES)[:, :, :d]

# --- scband reference (transcript-rebuilt; emitter-appended) ---
"""Pipeline reference for scband-speaker-embeddings-85169201479838 (READ-ONLY COPY).

The authoritative reference and input builder live on the scoring server;
editing this copy changes nothing except your own understanding.
"""

import jax, jax.numpy as jnp
import numpy as np


def setup_inputs(seed: int = 0) -> dict:
    key = jax.random.key(seed)
    k1, k2, k3 = jax.random.split(key, 3)
    label_input = jax.random.randint(k1, (4096, 200), 0, 2, dtype=jnp.int64 if jax.config.jax_enable_x64 else jnp.int32).astype(jnp.int32)
    word_embeddings = jax.random.normal(k2, (2, 100), dtype=jnp.float32)
    ln_weight = jnp.ones((100,), dtype=jnp.float32)
    ln_bias = jnp.zeros((100,), dtype=jnp.float32)
    return {
        "label_input": label_input,
        "word_embeddings": word_embeddings,
        "ln_weight": ln_weight,
        "ln_bias": ln_bias,
    }


def _layer_norm(x, weight, bias, eps=1e-12):
    mean = jnp.mean(x, axis=-1, keepdims=True)
    var = jnp.mean(jnp.square(x - mean), axis=-1, keepdims=True)
    xhat = (x - mean) / jnp.sqrt(var + eps)
    return xhat * weight + bias


def reference(label_input, word_embeddings, ln_weight, ln_bias):
    # embedding lookup
    words_embeddings = jnp.take(word_embeddings, label_input, axis=0)
    embeddings = _layer_norm(words_embeddings, ln_weight, ln_bias, eps=1e-12)
    # dropout is identity in eval mode
    return embeddings

if __name__ == "__main__":
    import jax
    _d = setup_inputs()
    print(jax.jit(kernel)(*tuple(_d.values())))

</pallas_src>

<mosaic_0001>
#map = affine_map<(d0, d1) -> (0, 0, 0)>
#map1 = affine_map<(d0, d1) -> (0, 0)>
module attributes {stable_mosaic.version = 14 : i64} {
  func.func @sc_kernel(%arg0: i32, %arg1: i32, %arg2: memref<256x8x128xf32, #tpu.memory_space<hbm>>, %arg3: memref<800x128xi32, #tpu.memory_space<hbm>>, %arg4: memref<102400x8x128xf32, #tpu.memory_space<hbm>>, %arg5: memref<25x128xi32, #tpu.memory_space<vmem>>, %arg6: memref<1x32xi32, #tpu.memory_space<vmem>>, %arg7: memref<4x32xi32, #tpu.memory_space<vmem>>, %arg8: memref<25x8x128xf32, #tpu.memory_space<vmem>>, %arg9: memref<25x8x128xf32, #tpu.memory_space<vmem>>, %arg10: memref<25x8x128xf32, #tpu.memory_space<vmem>>, %arg11: memref<25x8x128xf32, #tpu.memory_space<vmem>>, %arg12: memref<256x8x128xf32, #tpu.memory_space<vmem_shared>>, %arg13: memref<!tpu.dma_semaphore, #tpu.memory_space<semaphore_mem>>, %arg14: memref<!tpu.dma_semaphore, #tpu.memory_space<semaphore_mem>>, %arg15: memref<!tpu.dma_semaphore, #tpu.memory_space<semaphore_mem>>, %arg16: memref<!tpu.dma_semaphore, #tpu.memory_space<semaphore_mem>>, %arg17: memref<!tpu.dma_semaphore, #tpu.memory_space<semaphore_mem>>, %arg18: memref<!tpu.dma_semaphore, #tpu.memory_space<semaphore_mem>>, %arg19: memref<!tpu.dma_semaphore, #tpu.memory_space<semaphore_mem>>, %arg20: memref<!tpu.dma_semaphore, #tpu.memory_space<semaphore_mem>>) attributes {dimension_semantics = [#tpu.dimension_semantics<core_parallel>, #tpu.dimension_semantics<subcore_parallel>], iteration_bounds = array<i64: 2, 16>, scalar_prefetch = 0 : i64, scratch_operands = 16 : i64, tpu.core_type = #tpu.core_type<sc_vector_subcore>, window_params = [{transform_indices = #map}, {transform_indices = #map1}, {transform_indices = #map}]} {
    %mul3A = arith.constant 2 : i32
    %mul3A_0 = arith.muli %arg1, %mul3A : i32
    %add3A = arith.addi %mul3A_0, %arg0 : i32
    %mul3A_1 = arith.constant 16 : i32
    %mul3A_2 = arith.muli %arg1, %mul3A_1 : i32
    "tpu.region"() ({
      %run_scoped3A = tpu.sem_alloc : memref<!tpu.dma_semaphore, #tpu.memory_space<semaphore_mem>>
      %dma_start3A_331 = arith.constant 0 : i32
      %dma_start3A_332 = arith.constant 0 : i32
      %dma_start3A_333 = arith.constant 0 : i32
      %dma_start3A_334 = tpu.memref_slice %arg8[%dma_start3A_331, %dma_start3A_332, %dma_start3A_333] : memref<25x8x128xf32, #tpu.memory_space<vmem>> -> memref<16x8x128xf32, #tpu.memory_space<vmem>>
      %dma_start3A_335 = arith.constant 0 : i32
      %dma_start3A_336 = arith.constant 0 : i32
      %dma_start3A_337 = tpu.memref_slice %arg2[%mul3A_2, %dma_start3A_335, %dma_start3A_336] : memref<256x8x128xf32, #tpu.memory_space<hbm>> -> memref<16x8x128xf32, #tpu.memory_space<hbm>>
      %dma_start3A_338 = arith.constant 0 : i32
      %dma_start3A_339 = arith.constant 0 : i32
      %dma_start3A_340 = arith.constant 0 : i32
      %dma_start3A_341 = tpu.memref_slice %arg8[%dma_start3A_338, %dma_start3A_339, %dma_start3A_340] : memref<25x8x128xf32, #tpu.memory_space<vmem>> -> memref<16x8x128xf32, #tpu.memory_space<vmem>>
      %dma_start3A_342 = arith.constant 0 : i32
      %dma_start3A_343 = arith.constant 0 : i32
      %dma_start3A_344 = tpu.memref_slice %arg2[%mul3A_2, %dma_start3A_342, %dma_start3A_343] : memref<256x8x128xf32, #tpu.memory_space<hbm>> -> memref<16x8x128xf32, #tpu.memory_space<hbm>>
      tpu.enqueue_dma source(%dma_start3A_344 : memref<16x8x128xf32, #tpu.memory_space<hbm>>) target(%dma_start3A_341 : memref<16x8x128xf32, #tpu.memory_space<vmem>>) target_semaphore(%run_scoped3A : memref<!tpu.dma_semaphore, #tpu.memory_space<semaphore_mem>>)
      %dma_wait3A_345 = arith.constant 0 : i32
      %dma_wait3A_346 = arith.constant 0 : i32
      %dma_wait3A_347 = arith.constant 0 : i32
      %dma_wait3A_348 = tpu.memref_slice %arg8[%dma_wait3A_345, %dma_wait3A_346, %dma_wait3A_347] : memref<25x8x128xf32, #tpu.memory_space<vmem>> -> memref<16x8x128xf32, #tpu.memory_space<vmem>>
      %dma_wait3A_349 = arith.constant 0 : i32
      %dma_wait3A_350 = arith.constant 0 : i32
      %dma_wait3A_351 = tpu.memref_slice %arg2[%mul3A_2, %dma_wait3A_349, %dma_wait3A_350] : memref<256x8x128xf32, #tpu.memory_space<hbm>> -> memref<16x8x128xf32, #tpu.memory_space<hbm>>
      %dma_wait3A_352 = arith.constant 0 : i32
      %dma_wait3A_353 = arith.constant 0 : i32
      %dma_wait3A_354 = arith.constant 0 : i32
      %dma_wait3A_355 = tpu.memref_slice %arg8[%dma_wait3A_352, %dma_wait3A_353, %dma_wait3A_354] : memref<25x8x128xf32, #tpu.memory_space<vmem>> -> memref<16x8x128xf32, #tpu.memory_space<vmem>>
      %dma_wait3A_356 = arith.constant 0 : i32
      %dma_wait3A_357 = arith.constant 0 : i32
      %dma_wait3A_358 = tpu.memref_slice %arg2[%mul3A_2, %dma_wait3A_356, %dma_wait3A_357] : memref<256x8x128xf32, #tpu.memory_space<hbm>> -> memref<16x8x128xf32, #tpu.memory_space<hbm>>
      tpu.wait_dma2 semaphore(%run_scoped3A : memref<!tpu.dma_semaphore, #tpu.memory_space<semaphore_mem>>) src(%dma_wait3A_358 : memref<16x8x128xf32, #tpu.memory_space<hbm>>) dst(%dma_wait3A_355 : memref<16x8x128xf32, #tpu.memory_space<vmem>>)
      tpu.yield
    }) : () -> ()
    %mul3A_3 = arith.constant 16 : i32
    %mul3A_4 = arith.muli %arg1, %mul3A_3 : i32
    "tpu.region"() ({
      %run_scoped3A = tpu.sem_alloc : memref<!tpu.dma_semaphore, #tpu.memory_space<semaphore_mem>>
      %dma_start3A_331 = arith.constant 0 : i32
      %dma_start3A_332 = arith.constant 0 : i32
      %dma_start3A_333 = arith.constant 0 : i32
      %dma_start3A_334 = tpu.memref_slice %arg8[%dma_start3A_331, %dma_start3A_332, %dma_start3A_333] : memref<25x8x128xf32, #tpu.memory_space<vmem>> -> memref<16x8x128xf32, #tpu.memory_space<vmem>>
      %dma_start3A_335 = arith.constant 0 : i32
      %dma_start3A_336 = arith.constant 0 : i32
      %dma_start3A_337 = tpu.memref_slice %arg12[%mul3A_4, %dma_start3A_335, %dma_start3A_336] : memref<256x8x128xf32, #tpu.memory_space<vmem_shared>> -> memref<16x8x128xf32, #tpu.memory_space<vmem_shared>>
      %dma_start3A_338 = arith.constant 0 : i32
      %dma_start3A_339 = arith.constant 0 : i32
      %dma_start3A_340 = tpu.memref_slice %arg12[%mul3A_4, %dma_start3A_338, %dma_start3A_339] : memref<256x8x128xf32, #tpu.memory_space<vmem_shared>> -> memref<16x8x128xf32, #tpu.memory_space<vmem_shared>>
      %dma_start3A_341 = arith.constant 0 : i32
      %dma_start3A_342 = arith.constant 0 : i32
      %dma_start3A_343 = arith.constant 0 : i32
      %dma_start3A_344 = tpu.memref_slice %arg8[%dma_start3A_341, %dma_start3A_342, %dma_start3A_343] : memref<25x8x128xf32, #tpu.memory_space<vmem>> -> memref<16x8x128xf32, #tpu.memory_space<vmem>>
      tpu.enqueue_dma source(%dma_start3A_344 : memref<16x8x128xf32, #tpu.memory_space<vmem>>) target(%dma_start3A_340 : memref<16x8x128xf32, #tpu.memory_space<vmem_shared>>) target_semaphore(%run_scoped3A : memref<!tpu.dma_semaphore, #tpu.memory_space<semaphore_mem>>)
      %dma_wait3A_345 = arith.constant 0 : i32
      %dma_wait3A_346 = arith.constant 0 : i32
      %dma_wait3A_347 = arith.constant 0 : i32
      %dma_wait3A_348 = tpu.memref_slice %arg8[%dma_wait3A_345, %dma_wait3A_346, %dma_wait3A_347] : memref<25x8x128xf32, #tpu.memory_space<vmem>> -> memref<16x8x128xf32, #tpu.memory_space<vmem>>
      %dma_wait3A_349 = arith.constant 0 : i32
      %dma_wait3A_350 = arith.constant 0 : i32
      %dma_wait3A_351 = tpu.memref_slice %arg12[%mul3A_4, %dma_wait3A_349, %dma_wait3A_350] : memref<256x8x128xf32, #tpu.memory_space<vmem_shared>> -> memref<16x8x128xf32, #tpu.memory_space<vmem_shared>>
      %dma_wait3A_352 = arith.constant 0 : i32
      %dma_wait3A_353 = arith.constant 0 : i32
      %dma_wait3A_354 = tpu.memref_slice %arg12[%mul3A_4, %dma_wait3A_352, %dma_wait3A_353] : memref<256x8x128xf32, #tpu.memory_space<vmem_shared>> -> memref<16x8x128xf32, #tpu.memory_space<vmem_shared>>
      %dma_wait3A_355 = arith.constant 0 : i32
      %dma_wait3A_356 = arith.constant 0 : i32
      %dma_wait3A_357 = arith.constant 0 : i32
      %dma_wait3A_358 = tpu.memref_slice %arg8[%dma_wait3A_355, %dma_wait3A_356, %dma_wait3A_357] : memref<25x8x128xf32, #tpu.memory_space<vmem>> -> memref<16x8x128xf32, #tpu.memory_space<vmem>>
      tpu.wait_dma2 semaphore(%run_scoped3A : memref<!tpu.dma_semaphore, #tpu.memory_space<semaphore_mem>>) src(%dma_wait3A_358 : memref<16x8x128xf32, #tpu.memory_space<vmem>>) dst(%dma_wait3A_354 : memref<16x8x128xf32, #tpu.memory_space<vmem_shared>>)
      tpu.yield
    }) : () -> ()
    %barrier3A = arith.constant 0 : index
    tpu.barrier barrier_id(%barrier3A)
    %iota3A = tpu.iota {dimensions = array<i32: 0>} : vector<16xi32>
    %mul3A_5 = arith.constant 25 : i32
    %mul3A_6 = arith.muli %add3A, %mul3A_5 : i32
    %add3A_7 = arith.constant 0 : i32
    %add3A_8 = arith.addi %mul3A_6, %add3A_7 : i32
    %add3A_9 = vector.broadcast %add3A_8 : i32 to vector<16xi32>
    %add3A_10 = arith.addi %iota3A, %add3A_9 : vector<16xi32>
    %min3A = arith.constant 799 : i32
    %min3A_11 = vector.broadcast %min3A : i32 to vector<16xi32>
    %min3A_12 = arith.minsi %add3A_10, %min3A_11 : vector<16xi32>
    %swap3A = arith.constant 0 : i32
    %swap3A_13 = arith.index_cast %swap3A : i32 to index
    %swap3A_14 = arith.constant 0 : index
    %swap3A_15 = tpu.vector_load %arg6[%swap3A_13, %swap3A_14] {strides = array<i32>} : memref<1x32xi32, #tpu.memory_space<vmem>>, vector<16xi32>,
    tpu.vector_store %arg6[%swap3A_13, %swap3A_14], %min3A_12 {strides = array<i32>} : memref<1x32xi32, #tpu.memory_space<vmem>>, vector<16xi32>,
    %iota3A_16 = tpu.iota {dimensions = array<i32: 0>} : vector<16xi32>
    %mul3A_17 = arith.constant 25 : i32
    %mul3A_18 = arith.muli %add3A, %mul3A_17 : i32
    %add3A_19 = arith.constant 16 : i32
    %add3A_20 = arith.addi %mul3A_18, %add3A_19 : i32
    %add3A_21 = vector.broadcast %add3A_20 : i32 to vector<16xi32>
    %add3A_22 = arith.addi %iota3A_16, %add3A_21 : vector<16xi32>
    %min3A_23 = arith.constant 799 : i32
    %min3A_24 = vector.broadcast %min3A_23 : i32 to vector<16xi32>
    %min3A_25 = arith.minsi %add3A_22, %min3A_24 : vector<16xi32>
    %swap3A_26 = arith.constant 0 : i32
    %swap3A_27 = arith.index_cast %swap3A_26 : i32 to index
    %swap3A_28 = arith.constant 16 : index
    %swap3A_29 = tpu.vector_load %arg6[%swap3A_27, %swap3A_28] {strides = array<i32>} : memref<1x32xi32, #tpu.memory_space<vmem>>, vector<16xi32>,
    tpu.vector_store %arg6[%swap3A_27, %swap3A_28], %min3A_25 {strides = array<i32>} : memref<1x32xi32, #tpu.memory_space<vmem>>, vector<16xi32>,
    %dma_start3A = arith.constant 0 : i32
    %dma_start3A_30 = arith.constant 0 : i32
    %dma_start3A_31 = tpu.memref_slice %arg6[%dma_start3A, %dma_start3A_30] : memref<1x32xi32, #tpu.memory_space<vmem>> -> memref<1x25xi32, #tpu.memory_space<vmem>>
    %dma_start3A_32 = tpu.memref_squeeze %dma_start3A_31 : memref<1x25xi32, #tpu.memory_space<vmem>> -> memref<25xi32, #tpu.memory_space<vmem>>
    %dma_start3A_33 = arith.constant 0 : i32
    %dma_start3A_34 = arith.constant 0 : i32
    %dma_start3A_35 = tpu.memref_slice %arg3[%dma_start3A_33, %dma_start3A_34] : memref<800x128xi32, #tpu.memory_space<hbm>> -> memref<800x128xi32, #tpu.memory_space<hbm>>
    tpu.enqueue_indirect_dma source(%dma_start3A_35 : memref<800x128xi32, #tpu.memory_space<hbm>>) target(%arg5 : memref<25x128xi32, #tpu.memory_space<vmem>>) offsets(%dma_start3A_32 : memref<25xi32, #tpu.memory_space<vmem>>) semaphore(%arg13 : memref<!tpu.dma_semaphore, #tpu.memory_space<semaphore_mem>>)
    %dma_wait3A = arith.constant 0 : i32
    %dma_wait3A_36 = arith.constant 0 : i32
    %dma_wait3A_37 = tpu.memref_slice %arg6[%dma_wait3A, %dma_wait3A_36] : memref<1x32xi32, #tpu.memory_space<vmem>> -> memref<1x25xi32, #tpu.memory_space<vmem>>
    %dma_wait3A_38 = tpu.memref_squeeze %dma_wait3A_37 : memref<1x25xi32, #tpu.memory_space<vmem>> -> memref<25xi32, #tpu.memory_space<vmem>>
    %dma_wait3A_39 = arith.constant 0 : i32
    %dma_wait3A_40 = arith.constant 0 : i32
    %dma_wait3A_41 = tpu.memref_slice %arg3[%dma_wait3A_39, %dma_wait3A_40] : memref<800x128xi32, #tpu.memory_space<hbm>> -> memref<800x128xi32, #tpu.memory_space<hbm>>
    tpu.wait_indirect_dma semaphore(%arg13 : memref<!tpu.dma_semaphore, #tpu.memory_space<semaphore_mem>>) src(%dma_wait3A_41 : memref<800x128xi32, #tpu.memory_space<hbm>>) dst(%arg5 : memref<25x128xi32, #tpu.memory_space<vmem>>)
    %iota3A_42 = tpu.iota {dimensions = array<i32: 0>} : vector<16xi32>
    %add3A_43 = arith.constant 0 : i32
    %add3A_44 = vector.broadcast %add3A_43 : i32 to vector<16xi32>
    %add3A_45 = arith.addi %iota3A_42, %add3A_44 : vector<16xi32>
    %min3A_46 = arith.constant 3199 : i32
    %min3A_47 = vector.broadcast %min3A_46 : i32 to vector<16xi32>
    %min3A_48 = arith.minsi %add3A_45, %min3A_47 : vector<16xi32>
    %shift_right_arithmetic3A = arith.constant 7 : i32
    %shift_right_arithmetic3A_49 = vector.broadcast %shift_right_arithmetic3A : i32 to vector<16xi32>
    %shift_right_arithmetic3A_50 = arith.shrsi %min3A_48, %shift_right_arithmetic3A_49 : vector<16xi32>
    %and3A = arith.constant 127 : i32
    %and3A_51 = vector.broadcast %and3A : i32 to vector<16xi32>
    %and3A_52 = arith.andi %min3A_48, %and3A_51 : vector<16xi32>
    %gather3A = tpu.vector_load_idx %arg5[%shift_right_arithmetic3A_50, %and3A_52] : memref<25x128xi32, #tpu.memory_space<vmem>>[vector<16xi32>, vector<16xi32>], vector<16xi32>,
    %swap3A_53 = arith.constant 0 : i32
    %swap3A_54 = arith.index_cast %swap3A_53 : i32 to index
    %swap3A_55 = arith.constant 0 : index
    %swap3A_56 = tpu.vector_load %arg7[%swap3A_54, %swap3A_55] {strides = array<i32>} : memref<4x32xi32, #tpu.memory_space<vmem>>, vector<16xi32>,
    tpu.vector_store %arg7[%swap3A_54, %swap3A_55], %gather3A {strides = array<i32>} : memref<4x32xi32, #tpu.memory_space<vmem>>, vector<16xi32>,
    %iota3A_57 = tpu.iota {dimensions = array<i32: 0>} : vector<16xi32>
    %add3A_58 = arith.constant 16 : i32
    %add3A_59 = vector.broadcast %add3A_58 : i32 to vector<16xi32>
    %add3A_60 = arith.addi %iota3A_57, %add3A_59 : vector<16xi32>
    %min3A_61 = arith.constant 3199 : i32
    %min3A_62 = vector.broadcast %min3A_61 : i32 to vector<16xi32>
    %min3A_63 = arith.minsi %add3A_60, %min3A_62 : vector<16xi32>
    %shift_right_arithmetic3A_64 = arith.constant 7 : i32
    %shift_right_arithmetic3A_65 = vector.broadcast %shift_right_arithmetic3A_64 : i32 to vector<16xi32>
    %shift_right_arithmetic3A_66 = arith.shrsi %min3A_63, %shift_right_arithmetic3A_65 : vector<16xi32>
    %and3A_67 = arith.constant 127 : i32
    %and3A_68 = vector.broadcast %and3A_67 : i32 to vector<16xi32>
    %and3A_69 = arith.andi %min3A_63, %and3A_68 : vector<16xi32>
    %gather3A_70 = tpu.vector_load_idx %arg5[%shift_right_arithmetic3A_66, %and3A_69] : memref<25x128xi32, #tpu.memory_space<vmem>>[vector<16xi32>, vector<16xi32>], vector<16xi32>,
    %swap3A_71 = arith.constant 0 : i32
    %swap3A_72 = arith.index_cast %swap3A_71 : i32 to index
    %swap3A_73 = arith.constant 16 : index
    %swap3A_74 = tpu.vector_load %arg7[%swap3A_72, %swap3A_73] {strides = array<i32>} : memref<4x32xi32, #tpu.memory_space<vmem>>, vector<16xi32>,
    tpu.vector_store %arg7[%swap3A_72, %swap3A_73], %gather3A_70 {strides = array<i32>} : memref<4x32xi32, #tpu.memory_space<vmem>>, vector<16xi32>,
    %dma_start3A_75 = arith.constant 0 : i32
    %dma_start3A_76 = arith.constant 0 : i32
    %dma_start3A_77 = tpu.memref_slice %arg7[%dma_start3A_75, %dma_start3A_76] : memref<4x32xi32, #tpu.memory_space<vmem>> -> memref<1x25xi32, #tpu.memory_space<vmem>>
    %dma_start3A_78 = tpu.memref_squeeze %dma_start3A_77 : memref<1x25xi32, #tpu.memory_space<vmem>> -> memref<25xi32, #tpu.memory_space<vmem>>
    %dma_start3A_79 = arith.constant 0 : i32
    %dma_start3A_80 = arith.constant 0 : i32
    %dma_start3A_81 = arith.constant 0 : i32
    %dma_start3A_82 = tpu.memref_slice %arg12[%dma_start3A_79, %dma_start3A_80, %dma_start3A_81] : memref<256x8x128xf32, #tpu.memory_space<vmem_shared>> -> memref<256x8x128xf32, #tpu.memory_space<vmem_shared>>
    tpu.enqueue_indirect_dma source(%dma_start3A_82 : memref<256x8x128xf32, #tpu.memory_space<vmem_shared>>) target(%arg8 : memref<25x8x128xf32, #tpu.memory_space<vmem>>) offsets(%dma_start3A_78 : memref<25xi32, #tpu.memory_space<vmem>>) semaphore(%arg13 : memref<!tpu.dma_semaphore, #tpu.memory_space<semaphore_mem>>)
    %iota3A_83 = tpu.iota {dimensions = array<i32: 0>} : vector<16xi32>
    %add3A_84 = arith.constant 25 : i32
    %add3A_85 = vector.broadcast %add3A_84 : i32 to vector<16xi32>
    %add3A_86 = arith.addi %iota3A_83, %add3A_85 : vector<16xi32>
    %min3A_87 = arith.constant 3199 : i32
    %min3A_88 = vector.broadcast %min3A_87 : i32 to vector<16xi32>
    %min3A_89 = arith.minsi %add3A_86, %min3A_88 : vector<16xi32>
    %shift_right_arithmetic3A_90 = arith.constant 7 : i32
    %shift_right_arithmetic3A_91 = vector.broadcast %shift_right_arithmetic3A_90 : i32 to vector<16xi32>
    %shift_right_arithmetic3A_92 = arith.shrsi %min3A_89, %shift_right_arithmetic3A_91 : vector<16xi32>
    %and3A_93 = arith.constant 127 : i32
    %and3A_94 = vector.broadcast %and3A_93 : i32 to vector<16xi32>
    %and3A_95 = arith.andi %min3A_89, %and3A_94 : vector<16xi32>
    %gather3A_96 = tpu.vector_load_idx %arg5[%shift_right_arithmetic3A_92, %and3A_95] : memref<25x128xi32, #tpu.memory_space<vmem>>[vector<16xi32>, vector<16xi32>], vector<16xi32>,
    %swap3A_97 = arith.constant 1 : i32
    %swap3A_98 = arith.index_cast %swap3A_97 : i32 to index
    %swap3A_99 = arith.constant 0 : index
    %swap3A_100 = tpu.vector_load %arg7[%swap3A_98, %swap3A_99] {strides = array<i32>} : memref<4x32xi32, #tpu.memory_space<vmem>>, vector<16xi32>,
    tpu.vector_store %arg7[%swap3A_98, %swap3A_99], %gather3A_96 {strides = array<i32>} : memref<4x32xi32, #tpu.memory_space<vmem>>, vector<16xi32>,
    %iota3A_101 = tpu.iota {dimensions = array<i32: 0>} : vector<16xi32>
    %add3A_102 = arith.constant 41 : i32
    %add3A_103 = vector.broadcast %add3A_102 : i32 to vector<16xi32>
    %add3A_104 = arith.addi %iota3A_101, %add3A_103 : vector<16xi32>
    %min3A_105 = arith.constant 3199 : i32
    %min3A_106 = vector.broadcast %min3A_105 : i32 to vector<16xi32>
    %min3A_107 = arith.minsi %add3A_104, %min3A_106 : vector<16xi32>
    %shift_right_arithmetic3A_108 = arith.constant 7 : i32
    %shift_right_arithmetic3A_109 = vector.broadcast %shift_right_arithmetic3A_108 : i32 to vector<16xi32>
    %shift_right_arithmetic3A_110 = arith.shrsi %min3A_107, %shift_right_arithmetic3A_109 : vector<16xi32>
    %and3A_111 = arith.constant 127 : i32
    %and3A_112 = vector.broadcast %and3A_111 : i32 to vector<16xi32>
    %and3A_113 = arith.andi %min3A_107, %and3A_112 : vector<16xi32>
    %gather3A_114 = tpu.vector_load_idx %arg5[%shift_right_arithmetic3A_110, %and3A_113] : memref<25x128xi32, #tpu.memory_space<vmem>>[vector<16xi32>, vector<16xi32>], vector<16xi32>,
    %swap3A_115 = arith.constant 1 : i32
    %swap3A_116 = arith.index_cast %swap3A_115 : i32 to index
    %swap3A_117 = arith.constant 16 : index
    %swap3A_118 = tpu.vector_load %arg7[%swap3A_116, %swap3A_117] {strides = array<i32>} : memref<4x32xi32, #tpu.memory_space<vmem>>, vector<16xi32>,
    tpu.vector_store %arg7[%swap3A_116, %swap3A_117], %gather3A_114 {strides = array<i32>} : memref<4x32xi32, #tpu.memory_space<vmem>>, vector<16xi32>,
    %dma_start3A_119 = arith.constant 1 : i32
    %dma_start3A_120 = arith.constant 0 : i32
    %dma_start3A_121 = tpu.memref_slice %arg7[%dma_start3A_119, %dma_start3A_120] : memref<4x32xi32, #tpu.memory_space<vmem>> -> memref<1x25xi32, #tpu.memory_space<vmem>>
    %dma_start3A_122 = tpu.memref_squeeze %dma_start3A_121 : memref<1x25xi32, #tpu.memory_space<vmem>> -> memref<25xi32, #tpu.memory_space<vmem>>
    %dma_start3A_123 = arith.constant 0 : i32
    %dma_start3A_124 = arith.constant 0 : i32
    %dma_start3A_125 = arith.constant 0 : i32
    %dma_start3A_126 = tpu.memref_slice %arg12[%dma_start3A_123, %dma_start3A_124, %dma_start3A_125] : memref<256x8x128xf32, #tpu.memory_space<vmem_shared>> -> memref<256x8x128xf32, #tpu.memory_space<vmem_shared>>
    tpu.enqueue_indirect_dma source(%dma_start3A_126 : memref<256x8x128xf32, #tpu.memory_space<vmem_shared>>) target(%arg9 : memref<25x8x128xf32, #tpu.memory_space<vmem>>) offsets(%dma_start3A_122 : memref<25xi32, #tpu.memory_space<vmem>>) semaphore(%arg14 : memref<!tpu.dma_semaphore, #tpu.memory_space<semaphore_mem>>)
    %iota3A_127 = tpu.iota {dimensions = array<i32: 0>} : vector<16xi32>
    %add3A_128 = arith.constant 50 : i32
    %add3A_129 = vector.broadcast %add3A_128 : i32 to vector<16xi32>
    %add3A_130 = arith.addi %iota3A_127, %add3A_129 : vector<16xi32>
    %min3A_131 = arith.constant 3199 : i32
    %min3A_132 = vector.broadcast %min3A_131 : i32 to vector<16xi32>
    %min3A_133 = arith.minsi %add3A_130, %min3A_132 : vector<16xi32>
    %shift_right_arithmetic3A_134 = arith.constant 7 : i32
    %shift_right_arithmetic3A_135 = vector.broadcast %shift_right_arithmetic3A_134 : i32 to vector<16xi32>
    %shift_right_arithmetic3A_136 = arith.shrsi %min3A_133, %shift_right_arithmetic3A_135 : vector<16xi32>
    %and3A_137 = arith.constant 127 : i32
    %and3A_138 = vector.broadcast %and3A_137 : i32 to vector<16xi32>
    %and3A_139 = arith.andi %min3A_133, %and3A_138 : vector<16xi32>
    %gather3A_140 = tpu.vector_load_idx %arg5[%shift_right_arithmetic3A_136, %and3A_139] : memref<25x128xi32, #tpu.memory_space<vmem>>[vector<16xi32>, vector<16xi32>], vector<16xi32>,
    %swap3A_141 = arith.constant 2 : i32
    %swap3A_142 = arith.index_cast %swap3A_141 : i32 to index
    %swap3A_143 = arith.constant 0 : index
    %swap3A_144 = tpu.vector_load %arg7[%swap3A_142, %swap3A_143] {strides = array<i32>} : memref<4x32xi32, #tpu.memory_space<vmem>>, vector<16xi32>,
    tpu.vector_store %arg7[%swap3A_142, %swap3A_143], %gather3A_140 {strides = array<i32>} : memref<4x32xi32, #tpu.memory_space<vmem>>, vector<16xi32>,
    %iota3A_145 = tpu.iota {dimensions = array<i32: 0>} : vector<16xi32>
    %add3A_146 = arith.constant 66 : i32
    %add3A_147 = vector.broadcast %add3A_146 : i32 to vector<16xi32>
    %add3A_148 = arith.addi %iota3A_145, %add3A_147 : vector<16xi32>
    %min3A_149 = arith.constant 3199 : i32
    %min3A_150 = vector.broadcast %min3A_149 : i32 to vector<16xi32>
    %min3A_151 = arith.minsi %add3A_148, %min3A_150 : vector<16xi32>
    %shift_right_arithmetic3A_152 = arith.constant 7 : i32
    %shift_right_arithmetic3A_153 = vector.broadcast %shift_right_arithmetic3A_152 : i32 to vector<16xi32>
    %shift_right_arithmetic3A_154 = arith.shrsi %min3A_151, %shift_right_arithmetic3A_153 : vector<16xi32>
    %and3A_155 = arith.constant 127 : i32
    %and3A_156 = vector.broadcast %and3A_155 : i32 to vector<16xi32>
    %and3A_157 = arith.andi %min3A_151, %and3A_156 : vector<16xi32>
    %gather3A_158 = tpu.vector_load_idx %arg5[%shift_right_arithmetic3A_154, %and3A_157] : memref<25x128xi32, #tpu.memory_space<vmem>>[vector<16xi32>, vector<16xi32>], vector<16xi32>,
    %swap3A_159 = arith.constant 2 : i32
    %swap3A_160 = arith.index_cast %swap3A_159 : i32 to index
    %swap3A_161 = arith.constant 16 : index
    %swap3A_162 = tpu.vector_load %arg7[%swap3A_160, %swap3A_161] {strides = array<i32>} : memref<4x32xi32, #tpu.memory_space<vmem>>, vector<16xi32>,
    tpu.vector_store %arg7[%swap3A_160, %swap3A_161], %gather3A_158 {strides = array<i32>} : memref<4x32xi32, #tpu.memory_space<vmem>>, vector<16xi32>,
    %dma_start3A_163 = arith.constant 2 : i32
    %dma_start3A_164 = arith.constant 0 : i32
    %dma_start3A_165 = tpu.memref_slice %arg7[%dma_start3A_163, %dma_start3A_164] : memref<4x32xi32, #tpu.memory_space<vmem>> -> memref<1x25xi32, #tpu.memory_space<vmem>>
    %dma_start3A_166 = tpu.memref_squeeze %dma_start3A_165 : memref<1x25xi32, #tpu.memory_space<vmem>> -> memref<25xi32, #tpu.memory_space<vmem>>
    %dma_start3A_167 = arith.constant 0 : i32
    %dma_start3A_168 = arith.constant 0 : i32
    %dma_start3A_169 = arith.constant 0 : i32
    %dma_start3A_170 = tpu.memref_slice %arg12[%dma_start3A_167, %dma_start3A_168, %dma_start3A_169] : memref<256x8x128xf32, #tpu.memory_space<vmem_shared>> -> memref<256x8x128xf32, #tpu.memory_space<vmem_shared>>
    tpu.enqueue_indirect_dma source(%dma_start3A_170 : memref<256x8x128xf32, #tpu.memory_space<vmem_shared>>) target(%arg10 : memref<25x8x128xf32, #tpu.memory_space<vmem>>) offsets(%dma_start3A_166 : memref<25xi32, #tpu.memory_space<vmem>>) semaphore(%arg15 : memref<!tpu.dma_semaphore, #tpu.memory_space<semaphore_mem>>)
    %dma_wait3A_171 = arith.constant 0 : i32
    %dma_wait3A_172 = arith.constant 0 : i32
    %dma_wait3A_173 = tpu.memref_slice %arg7[%dma_wait3A_171, %dma_wait3A_172] : memref<4x32xi32, #tpu.memory_space<vmem>> -> memref<1x25xi32, #tpu.memory_space<vmem>>
    %dma_wait3A_174 = tpu.memref_squeeze %dma_wait3A_173 : memref<1x25xi32, #tpu.memory_space<vmem>> -> memref<25xi32, #tpu.memory_space<vmem>>
    %dma_wait3A_175 = arith.constant 0 : i32
    %dma_wait3A_176 = arith.constant 0 : i32
    %dma_wait3A_177 = arith.constant 0 : i32
    %dma_wait3A_178 = tpu.memref_slice %arg12[%dma_wait3A_175, %dma_wait3A_176, %dma_wait3A_177] : memref<256x8x128xf32, #tpu.memory_space<vmem_shared>> -> memref<256x8x128xf32, #tpu.memory_space<vmem_shared>>
    tpu.wait_indirect_dma semaphore(%arg13 : memref<!tpu.dma_semaphore, #tpu.memory_space<semaphore_mem>>) src(%dma_wait3A_178 : memref<256x8x128xf32, #tpu.memory_space<vmem_shared>>) dst(%arg8 : memref<25x8x128xf32, #tpu.memory_space<vmem>>)
    %mul3A_179 = arith.constant 3200 : i32
    %mul3A_180 = arith.muli %add3A, %mul3A_179 : i32
    %add3A_181 = arith.constant 0 : i32
    %add3A_182 = arith.addi %mul3A_180, %add3A_181 : i32
    %dma_start3A_183 = arith.constant 0 : i32
    %dma_start3A_184 = arith.constant 0 : i32
    %dma_start3A_185 = tpu.memref_slice %arg4[%add3A_182, %dma_start3A_183, %dma_start3A_184] : memref<102400x8x128xf32, #tpu.memory_space<hbm>> -> memref<25x8x128xf32, #tpu.memory_space<hbm>>
    %dma_start3A_186 = arith.constant 0 : i32
    %dma_start3A_187 = arith.constant 0 : i32
    %dma_start3A_188 = tpu.memref_slice %arg4[%add3A_182, %dma_start3A_186, %dma_start3A_187] : memref<102400x8x128xf32, #tpu.memory_space<hbm>> -> memref<25x8x128xf32, #tpu.memory_space<hbm>>
    tpu.enqueue_dma source(%arg8 : memref<25x8x128xf32, #tpu.memory_space<vmem>>) target(%dma_start3A_188 : memref<25x8x128xf32, #tpu.memory_space<hbm>>) target_semaphore(%arg17 : memref<!tpu.dma_semaphore, #tpu.memory_space<semaphore_mem>>)
    %iota3A_189 = tpu.iota {dimensions = array<i32: 0>} : vector<16xi32>
    %add3A_190 = arith.constant 75 : i32
    %add3A_191 = vector.broadcast %add3A_190 : i32 to vector<16xi32>
    %add3A_192 = arith.addi %iota3A_189, %add3A_191 : vector<16xi32>
    %min3A_193 = arith.constant 3199 : i32
    %min3A_194 = vector.broadcast %min3A_193 : i32 to vector<16xi32>
    %min3A_195 = arith.minsi %add3A_192, %min3A_194 : vector<16xi32>
    %shift_right_arithmetic3A_196 = arith.constant 7 : i32
    %shift_right_arithmetic3A_197 = vector.broadcast %shift_right_arithmetic3A_196 : i32 to vector<16xi32>
    %shift_right_arithmetic3A_198 = arith.shrsi %min3A_195, %shift_right_arithmetic3A_197 : vector<16xi32>
    %and3A_199 = arith.constant 127 : i32
    %and3A_200 = vector.broadcast %and3A_199 : i32 to vector<16xi32>
    %and3A_201 = arith.andi %min3A_195, %and3A_200 : vector<16xi32>
    %gather3A_202 = tpu.vector_load_idx %arg5[%shift_right_arithmetic3A_198, %and3A_201] : memref<25x128xi32, #tpu.memory_space<vmem>>[vector<16xi32>, vector<16xi32>], vector<16xi32>,
    %swap3A_203 = arith.constant 3 : i32
    %swap3A_204 = arith.index_cast %swap3A_203 : i32 to index
    %swap3A_205 = arith.constant 0 : index
    %swap3A_206 = tpu.vector_load %arg7[%swap3A_204, %swap3A_205] {strides = array<i32>} : memref<4x32xi32, #tpu.memory_space<vmem>>, vector<16xi32>,
    tpu.vector_store %arg7[%swap3A_204, %swap3A_205], %gather3A_202 {strides = array<i32>} : memref<4x32xi32, #tpu.memory_space<vmem>>, vector<16xi32>,
    %iota3A_207 = tpu.iota {dimensions = array<i32: 0>} : vector<16xi32>
    %add3A_208 = arith.constant 91 : i32
    %add3A_209 = vector.broadcast %add3A_208 : i32 to vector<16xi32>
    %add3A_210 = arith.addi %iota3A_207, %add3A_209 : vector<16xi32>
    %min3A_211 = arith.constant 3199 : i32
    %min3A_212 = vector.broadcast %min3A_211 : i32 to vector<16xi32>
    %min3A_213 = arith.minsi %add3A_210, %min3A_212 : vector<16xi32>
    %shift_right_arithmetic3A_214 = arith.constant 7 : i32
    %shift_right_arithmetic3A_215 = vector.broadcast %shift_right_arithmetic3A_214 : i32 to vector<16xi32>
    %shift_right_arithmetic3A_216 = arith.shrsi %min3A_213, %shift_right_arithmetic3A_215 : vector<16xi32>
    %and3A_217 = arith.constant 127 : i32
    %and3A_218 = vector.broadcast %and3A_217 : i32 to vector<16xi32>
    %and3A_219 = arith.andi %min3A_213, %and3A_218 : vector<16xi32>
    %gather3A_220 = tpu.vector_load_idx %arg5[%shift_right_arithmetic3A_216, %and3A_219] : memref<25x128xi32, #tpu.memory_space<vmem>>[vector<16xi32>, vector<16xi32>], vector<16xi32>,
    %swap3A_221 = arith.constant 3 : i32
    %swap3A_222 = arith.index_cast %swap3A_221 : i32 to index
    %swap3A_223 = arith.constant 16 : index
    %swap3A_224 = tpu.vector_load %arg7[%swap3A_222, %swap3A_223] {strides = array<i32>} : memref<4x32xi32, #tpu.memory_space<vmem>>, vector<16xi32>,
    tpu.vector_store %arg7[%swap3A_222, %swap3A_223], %gather3A_220 {strides = array<i32>} : memref<4x32xi32, #tpu.memory_space<vmem>>, vector<16xi32>,
    %dma_start3A_225 = arith.constant 3 : i32
    %dma_start3A_226 = arith.constant 0 : i32
    %dma_start3A_227 = tpu.memref_slice %arg7[%dma_start3A_225, %dma_start3A_226] : memref<4x32xi32, #tpu.memory_space<vmem>> -> memref<1x25xi32, #tpu.memory_space<vmem>>
    %dma_start3A_228 = tpu.memref_squeeze %dma_start3A_227 : memref<1x25xi32, #tpu.memory_space<vmem>> -> memref<25xi32, #tpu.memory_space<vmem>>
    %dma_start3A_229 = arith.constant 0 : i32
    %dma_start3A_230 = arith.constant 0 : i32
    %dma_start3A_231 = arith.constant 0 : i32
    %dma_start3A_232 = tpu.memref_slice %arg12[%dma_start3A_229, %dma_start3A_230, %dma_start3A_231] : memref<256x8x128xf32, #tpu.memory_space<vmem_shared>> -> memref<256x8x128xf32, #tpu.memory_space<vmem_shared>>
    tpu.enqueue_indirect_dma source(%dma_start3A_232 : memref<256x8x128xf32, #tpu.memory_space<vmem_shared>>) target(%arg11 : memref<25x8x128xf32, #tpu.memory_space<vmem>>) offsets(%dma_start3A_228 : memref<25xi32, #tpu.memory_space<vmem>>) semaphore(%arg16 : memref<!tpu.dma_semaphore, #tpu.memory_space<semaphore_mem>>)
    %dma_wait3A_233 = arith.constant 1 : i32
    %dma_wait3A_234 = arith.constant 0 : i32
    %dma_wait3A_235 = tpu.memref_slice %arg7[%dma_wait3A_233, %dma_wait3A_234] : memref<4x32xi32, #tpu.memory_space<vmem>> -> memref<1x25xi32, #tpu.memory_space<vmem>>
    %dma_wait3A_236 = tpu.memref_squeeze %dma_wait3A_235 : memref<1x25xi32, #tpu.memory_space<vmem>> -> memref<25xi32, #tpu.memory_space<vmem>>
    %dma_wait3A_237 = arith.constant 0 : i32
    %dma_wait3A_238 = arith.constant 0 : i32
    %dma_wait3A_239 = arith.constant 0 : i32
    %dma_wait3A_240 = tpu.memref_slice %arg12[%dma_wait3A_237, %dma_wait3A_238, %dma_wait3A_239] : memref<256x8x128xf32, #tpu.memory_space<vmem_shared>> -> memref<256x8x128xf32, #tpu.memory_space<vmem_shared>>
    tpu.wait_indirect_dma semaphore(%arg14 : memref<!tpu.dma_semaphore, #tpu.memory_space<semaphore_mem>>) src(%dma_wait3A_240 : memref<256x8x128xf32, #tpu.memory_space<vmem_shared>>) dst(%arg9 : memref<25x8x128xf32, #tpu.memory_space<vmem>>)
    %mul3A_241 = arith.constant 3200 : i32
    %mul3A_242 = arith.muli %add3A, %mul3A_241 : i32
    %add3A_243 = arith.constant 25 : i32
    %add3A_244 = arith.addi %mul3A_242, %add3A_243 : i32
    %dma_start3A_245 = arith.constant 0 : i32
    %dma_start3A_246 = arith.constant 0 : i32
    %dma_start3A_247 = tpu.memref_slice %arg4[%add3A_244, %dma_start3A_245, %dma_start3A_246] : memref<102400x8x128xf32, #tpu.memory_space<hbm>> -> memref<25x8x128xf32, #tpu.memory_space<hbm>>
    %dma_start3A_248 = arith.constant 0 : i32
    %dma_start3A_249 = arith.constant 0 : i32
    %dma_start3A_250 = tpu.memref_slice %arg4[%add3A_244, %dma_start3A_248, %dma_start3A_249] : memref<102400x8x128xf32, #tpu.memory_space<hbm>> -> memref<25x8x128xf32, #tpu.memory_space<hbm>>
    tpu.enqueue_dma source(%arg9 : memref<25x8x128xf32, #tpu.memory_space<vmem>>) target(%dma_start3A_250 : memref<25x8x128xf32, #tpu.memory_space<hbm>>) target_semaphore(%arg18 : memref<!tpu.dma_semaphore, #tpu.memory_space<semaphore_mem>>)
    %scan3A = arith.constant 1 : i32
    %scan3A_251 = arith.constant 31 : i32
    %scan3A_252 = arith.addi %scan3A, %scan3A_251 : i32
    %scan3A_253 = arith.constant 1 : i32
    scf.for %scan3A_331 = %scan3A to %scan3A_252 step %scan3A_253  : i32 {
      %mul3A_332 = arith.constant 4 : i32
      %mul3A_333 = arith.muli %mul3A_332, %scan3A_331 : i32
      %sub3A = arith.constant 4 : i32
      %sub3A_334 = arith.subi %mul3A_333, %sub3A : i32
      %mul3A_335 = arith.constant 3200 : i32
      %mul3A_336 = arith.muli %add3A, %mul3A_335 : i32
      %mul3A_337 = arith.constant 25 : i32
      %mul3A_338 = arith.muli %sub3A_334, %mul3A_337 : i32
      %add3A_339 = arith.addi %mul3A_336, %mul3A_338 : i32
      %dma_wait3A_340 = arith.constant 0 : i32
      %dma_wait3A_341 = arith.constant 0 : i32
      %dma_wait3A_342 = tpu.memref_slice %arg4[%add3A_339, %dma_wait3A_340, %dma_wait3A_341] : memref<102400x8x128xf32, #tpu.memory_space<hbm>> -> memref<25x8x128xf32, #tpu.memory_space<hbm>>
      %dma_wait3A_343 = arith.constant 0 : i32
      %dma_wait3A_344 = arith.constant 0 : i32
      %dma_wait3A_345 = tpu.memref_slice %arg4[%add3A_339, %dma_wait3A_343, %dma_wait3A_344] : memref<102400x8x128xf32, #tpu.memory_space<hbm>> -> memref<25x8x128xf32, #tpu.memory_space<hbm>>
      tpu.wait_dma2 semaphore(%arg17 : memref<!tpu.dma_semaphore, #tpu.memory_space<semaphore_mem>>) src(%arg8 : memref<25x8x128xf32, #tpu.memory_space<vmem>>) dst(%dma_wait3A_345 : memref<25x8x128xf32, #tpu.memory_space<hbm>>)
      %iota3A_346 = tpu.iota {dimensions = array<i32: 0>} : vector<16xi32>
      %mul3A_347 = arith.constant 25 : i32
      %mul3A_348 = arith.muli %mul3A_333, %mul3A_347 : i32
      %add3A_349 = arith.constant 0 : i32
      %add3A_350 = arith.addi %mul3A_348, %add3A_349 : i32
      %add3A_351 = vector.broadcast %add3A_350 : i32 to vector<16xi32>
      %add3A_352 = arith.addi %iota3A_346, %add3A_351 : vector<16xi32>
      %min3A_353 = arith.constant 3199 : i32
      %min3A_354 = vector.broadcast %min3A_353 : i32 to vector<16xi32>
      %min3A_355 = arith.minsi %add3A_352, %min3A_354 : vector<16xi32>
      %shift_right_arithmetic3A_356 = arith.constant 7 : i32
      %shift_right_arithmetic3A_357 = vector.broadcast %shift_right_arithmetic3A_356 : i32 to vector<16xi32>
      %shift_right_arithmetic3A_358 = arith.shrsi %min3A_355, %shift_right_arithmetic3A_357 : vector<16xi32>
      %and3A_359 = arith.constant 127 : i32
      %and3A_360 = vector.broadcast %and3A_359 : i32 to vector<16xi32>
      %and3A_361 = arith.andi %min3A_355, %and3A_360 : vector<16xi32>
      %gather3A_362 = tpu.vector_load_idx %arg5[%shift_right_arithmetic3A_358, %and3A_361] : memref<25x128xi32, #tpu.memory_space<vmem>>[vector<16xi32>, vector<16xi32>], vector<16xi32>,
      %swap3A_363 = arith.constant 0 : i32
      %swap3A_364 = arith.index_cast %swap3A_363 : i32 to index
      %swap3A_365 = arith.constant 0 : index
      %swap3A_366 = tpu.vector_load %arg7[%swap3A_364, %swap3A_365] {strides = array<i32>} : memref<4x32xi32, #tpu.memory_space<vmem>>, vector<16xi32>,
      tpu.vector_store %arg7[%swap3A_364, %swap3A_365], %gather3A_362 {strides = array<i32>} : memref<4x32xi32, #tpu.memory_space<vmem>>, vector<16xi32>,
      %iota3A_367 = tpu.iota {dimensions = array<i32: 0>} : vector<16xi32>
      %mul3A_368 = arith.constant 25 : i32
      %mul3A_369 = arith.muli %mul3A_333, %mul3A_368 : i32
      %add3A_370 = arith.constant 16 : i32
      %add3A_371 = arith.addi %mul3A_369, %add3A_370 : i32
      %add3A_372 = vector.broadcast %add3A_371 : i32 to vector<16xi32>
      %add3A_373 = arith.addi %iota3A_367, %add3A_372 : vector<16xi32>
      %min3A_374 = arith.constant 3199 : i32
      %min3A_375 = vector.broadcast %min3A_374 : i32 to vector<16xi32>
      %min3A_376 = arith.minsi %add3A_373, %min3A_375 : vector<16xi32>
      %shift_right_arithmetic3A_377 = arith.constant 7 : i32
      %shift_right_arithmetic3A_378 = vector.broadcast %shift_right_arithmetic3A_377 : i32 to vector<16xi32>
      %shift_right_arithmetic3A_379 = arith.shrsi %min3A_376, %shift_right_arithmetic3A_378 : vector<16xi32>
      %and3A_380 = arith.constant 127 : i32
      %and3A_381 = vector.broadcast %and3A_380 : i32 to vector<16xi32>
      %and3A_382 = arith.andi %min3A_376, %and3A_381 : vector<16xi32>
      %gather3A_383 = tpu.vector_load_idx %arg5[%shift_right_arithmetic3A_379, %and3A_382] : memref<25x128xi32, #tpu.memory_space<vmem>>[vector<16xi32>, vector<16xi32>], vector<16xi32>,
      %swap3A_384 = arith.constant 0 : i32
      %swap3A_385 = arith.index_cast %swap3A_384 : i32 to index
      %swap3A_386 = arith.constant 16 : index
      %swap3A_387 = tpu.vector_load %arg7[%swap3A_385, %swap3A_386] {strides = array<i32>} : memref<4x32xi32, #tpu.memory_space<vmem>>, vector<16xi32>,
      tpu.vector_store %arg7[%swap3A_385, %swap3A_386], %gather3A_383 {strides = array<i32>} : memref<4x32xi32, #tpu.memory_space<vmem>>, vector<16xi32>,
      %dma_start3A_388 = arith.constant 0 : i32
      %dma_start3A_389 = arith.constant 0 : i32
      %dma_start3A_390 = tpu.memref_slice %arg7[%dma_start3A_388, %dma_start3A_389] : memref<4x32xi32, #tpu.memory_space<vmem>> -> memref<1x25xi32, #tpu.memory_space<vmem>>
      %dma_start3A_391 = tpu.memref_squeeze %dma_start3A_390 : memref<1x25xi32, #tpu.memory_space<vmem>> -> memref<25xi32, #tpu.memory_space<vmem>>
      %dma_start3A_392 = arith.constant 0 : i32
      %dma_start3A_393 = arith.constant 0 : i32
      %dma_start3A_394 = arith.constant 0 : i32
      %dma_start3A_395 = tpu.memref_slice %arg12[%dma_start3A_392, %dma_start3A_393, %dma_start3A_394] : memref<256x8x128xf32, #tpu.memory_space<vmem_shared>> -> memref<256x8x128xf32, #tpu.memory_space<vmem_shared>>
      tpu.enqueue_indirect_dma source(%dma_start3A_395 : memref<256x8x128xf32, #tpu.memory_space<vmem_shared>>) target(%arg8 : memref<25x8x128xf32, #tpu.memory_space<vmem>>) offsets(%dma_start3A_391 : memref<25xi32, #tpu.memory_space<vmem>>) semaphore(%arg13 : memref<!tpu.dma_semaphore, #tpu.memory_space<semaphore_mem>>)
      %dma_wait3A_396 = arith.constant 2 : i32
      %dma_wait3A_397 = arith.constant 0 : i32
      %dma_wait3A_398 = tpu.memref_slice %arg7[%dma_wait3A_396, %dma_wait3A_397] : memref<4x32xi32, #tpu.memory_space<vmem>> -> memref<1x25xi32, #tpu.memory_space<vmem>>
      %dma_wait3A_399 = tpu.memref_squeeze %dma_wait3A_398 : memref<1x25xi32, #tpu.memory_space<vmem>> -> memref<25xi32, #tpu.memory_space<vmem>>
      %dma_wait3A_400 = arith.constant 0 : i32
      %dma_wait3A_401 = arith.constant 0 : i32
      %dma_wait3A_402 = arith.constant 0 : i32
      %dma_wait3A_403 = tpu.memref_slice %arg12[%dma_wait3A_400, %dma_wait3A_401, %dma_wait3A_402] : memref<256x8x128xf32, #tpu.memory_space<vmem_shared>> -> memref<256x8x128xf32, #tpu.memory_space<vmem_shared>>
      tpu.wait_indirect_dma semaphore(%arg15 : memref<!tpu.dma_semaphore, #tpu.memory_space<semaphore_mem>>) src(%dma_wait3A_403 : memref<256x8x128xf32, #tpu.memory_space<vmem_shared>>) dst(%arg10 : memref<25x8x128xf32, #tpu.memory_space<vmem>>)
      %sub3A_404 = arith.constant 2 : i32
      %sub3A_405 = arith.subi %mul3A_333, %sub3A_404 : i32
      %mul3A_406 = arith.constant 3200 : i32
      %mul3A_407 = arith.muli %add3A, %mul3A_406 : i32
      %mul3A_408 = arith.constant 25 : i32
      %mul3A_409 = arith.muli %sub3A_405, %mul3A_408 : i32
      %add3A_410 = arith.addi %mul3A_407, %mul3A_409 : i32
      %dma_start3A_411 = arith.constant 0 : i32
      %dma_start3A_412 = arith.constant 0 : i32
      %dma_start3A_413 = tpu.memref_slice %arg4[%add3A_410, %dma_start3A_411, %dma_start3A_412] : memref<102400x8x128xf32, #tpu.memory_space<hbm>> -> memref<25x8x128xf32, #tpu.memory_space<hbm>>
      %dma_start3A_414 = arith.constant 0 : i32
      %dma_start3A_415 = arith.constant 0 : i32
      %dma_start3A_416 = tpu.memref_slice %arg4[%add3A_410, %dma_start3A_414, %dma_start3A_415] : memref<102400x8x128xf32, #tpu.memory_space<hbm>> -> memref<25x8x128xf32, #tpu.memory_space<hbm>>
      tpu.enqueue_dma source(%arg10 : memref<25x8x128xf32, #tpu.memory_space<vmem>>) target(%dma_start3A_416 : memref<25x8x128xf32, #tpu.memory_space<hbm>>) target_semaphore(%arg19 : memref<!tpu.dma_semaphore, #tpu.memory_space<semaphore_mem>>)
      %add3A_417 = arith.constant 1 : i32
      %add3A_418 = arith.addi %mul3A_333, %add3A_417 : i32
      %sub3A_419 = arith.constant 4 : i32
      %sub3A_420 = arith.subi %add3A_418, %sub3A_419 : i32
      %mul3A_421 = arith.constant 3200 : i32
      %mul3A_422 = arith.muli %add3A, %mul3A_421 : i32
      %mul3A_423 = arith.constant 25 : i32
      %mul3A_424 = arith.muli %sub3A_420, %mul3A_423 : i32
      %add3A_425 = arith.addi %mul3A_422, %mul3A_424 : i32
      %dma_wait3A_426 = arith.constant 0 : i32
      %dma_wait3A_427 = arith.constant 0 : i32
      %dma_wait3A_428 = tpu.memref_slice %arg4[%add3A_425, %dma_wait3A_426, %dma_wait3A_427] : memref<102400x8x128xf32, #tpu.memory_space<hbm>> -> memref<25x8x128xf32, #tpu.memory_space<hbm>>
      %dma_wait3A_429 = arith.constant 0 : i32
      %dma_wait3A_430 = arith.constant 0 : i32
      %dma_wait3A_431 = tpu.memref_slice %arg4[%add3A_425, %dma_wait3A_429, %dma_wait3A_430] : memref<102400x8x128xf32, #tpu.memory_space<hbm>> -> memref<25x8x128xf32, #tpu.memory_space<hbm>>
      tpu.wait_dma2 semaphore(%arg18 : memref<!tpu.dma_semaphore, #tpu.memory_space<semaphore_mem>>) src(%arg9 : memref<25x8x128xf32, #tpu.memory_space<vmem>>) dst(%dma_wait3A_431 : memref<25x8x128xf32, #tpu.memory_space<hbm>>)
      %iota3A_432 = tpu.iota {dimensions = array<i32: 0>} : vector<16xi32>
      %mul3A_433 = arith.constant 25 : i32
      %mul3A_434 = arith.muli %add3A_418, %mul3A_433 : i32
      %add3A_435 = arith.constant 0 : i32
      %add3A_436 = arith.addi %mul3A_434, %add3A_435 : i32
      %add3A_437 = vector.broadcast %add3A_436 : i32 to vector<16xi32>
      %add3A_438 = arith.addi %iota3A_432, %add3A_437 : vector<16xi32>
      %min3A_439 = arith.constant 3199 : i32
      %min3A_440 = vector.broadcast %min3A_439 : i32 to vector<16xi32>
      %min3A_441 = arith.minsi %add3A_438, %min3A_440 : vector<16xi32>
      %shift_right_arithmetic3A_442 = arith.constant 7 : i32
      %shift_right_arithmetic3A_443 = vector.broadcast %shift_right_arithmetic3A_442 : i32 to vector<16xi32>
      %shift_right_arithmetic3A_444 = arith.shrsi %min3A_441, %shift_right_arithmetic3A_443 : vector<16xi32>
      %and3A_445 = arith.constant 127 : i32
      %and3A_446 = vector.broadcast %and3A_445 : i32 to vector<16xi32>
      %and3A_447 = arith.andi %min3A_441, %and3A_446 : vector<16xi32>
      %gather3A_448 = tpu.vector_load_idx %arg5[%shift_right_arithmetic3A_444, %and3A_447] : memref<25x128xi32, #tpu.memory_space<vmem>>[vector<16xi32>, vector<16xi32>], vector<16xi32>,
      %swap3A_449 = arith.constant 1 : i32
      %swap3A_450 = arith.index_cast %swap3A_449 : i32 to index
      %swap3A_451 = arith.constant 0 : index
      %swap3A_452 = tpu.vector_load %arg7[%swap3A_450, %swap3A_451] {strides = array<i32>} : memref<4x32xi32, #tpu.memory_space<vmem>>, vector<16xi32>,
      tpu.vector_store %arg7[%swap3A_450, %swap3A_451], %gather3A_448 {strides = array<i32>} : memref<4x32xi32, #tpu.memory_space<vmem>>, vector<16xi32>,
      %iota3A_453 = tpu.iota {dimensions = array<i32: 0>} : vector<16xi32>
      %mul3A_454 = arith.constant 25 : i32
      %mul3A_455 = arith.muli %add3A_418, %mul3A_454 : i32
      %add3A_456 = arith.constant 16 : i32
      %add3A_457 = arith.addi %mul3A_455, %add3A_456 : i32
      %add3A_458 = vector.broadcast %add3A_457 : i32 to vector<16xi32>
      %add3A_459 = arith.addi %iota3A_453, %add3A_458 : vector<16xi32>
      %min3A_460 = arith.constant 3199 : i32
      %min3A_461 = vector.broadcast %min3A_460 : i32 to vector<16xi32>
      %min3A_462 = arith.minsi %add3A_459, %min3A_461 : vector<16xi32>
      %shift_right_arithmetic3A_463 = arith.constant 7 : i32
      %shift_right_arithmetic3A_464 = vector.broadcast %shift_right_arithmetic3A_463 : i32 to vector<16xi32>
      %shift_right_arithmetic3A_465 = arith.shrsi %min3A_462, %shift_right_arithmetic3A_464 : vector<16xi32>
      %and3A_466 = arith.constant 127 : i32
      %and3A_467 = vector.broadcast %and3A_466 : i32 to vector<16xi32>
      %and3A_468 = arith.andi %min3A_462, %and3A_467 : vector<16xi32>
      %gather3A_469 = tpu.vector_load_idx %arg5[%shift_right_arithmetic3A_465, %and3A_468] : memref<25x128xi32, #tpu.memory_space<vmem>>[vector<16xi32>, vector<16xi32>], vector<16xi32>,
      %swap3A_470 = arith.constant 1 : i32
      %swap3A_471 = arith.index_cast %swap3A_470 : i32 to index
      %swap3A_472 = arith.constant 16 : index
      %swap3A_473 = tpu.vector_load %arg7[%swap3A_471, %swap3A_472] {strides = array<i32>} : memref<4x32xi32, #tpu.memory_space<vmem>>, vector<16xi32>,
      tpu.vector_store %arg7[%swap3A_471, %swap3A_472], %gather3A_469 {strides = array<i32>} : memref<4x32xi32, #tpu.memory_space<vmem>>, vector<16xi32>,
      %dma_start3A_474 = arith.constant 1 : i32
      %dma_start3A_475 = arith.constant 0 : i32
      %dma_start3A_476 = tpu.memref_slice %arg7[%dma_start3A_474, %dma_start3A_475] : memref<4x32xi32, #tpu.memory_space<vmem>> -> memref<1x25xi32, #tpu.memory_space<vmem>>
      %dma_start3A_477 = tpu.memref_squeeze %dma_start3A_476 : memref<1x25xi32, #tpu.memory_space<vmem>> -> memref<25xi32, #tpu.memory_space<vmem>>
      %dma_start3A_478 = arith.constant 0 : i32
      %dma_start3A_479 = arith.constant 0 : i32
      %dma_start3A_480 = arith.constant 0 : i32
      %dma_start3A_481 = tpu.memref_slice %arg12[%dma_start3A_478, %dma_start3A_479, %dma_start3A_480] : memref<256x8x128xf32, #tpu.memory_space<vmem_shared>> -> memref<256x8x128xf32, #tpu.memory_space<vmem_shared>>
      tpu.enqueue_indirect_dma source(%dma_start3A_481 : memref<256x8x128xf32, #tpu.memory_space<vmem_shared>>) target(%arg9 : memref<25x8x128xf32, #tpu.memory_space<vmem>>) offsets(%dma_start3A_477 : memref<25xi32, #tpu.memory_space<vmem>>) semaphore(%arg14 : memref<!tpu.dma_semaphore, #tpu.memory_space<semaphore_mem>>)
      %dma_wait3A_482 = arith.constant 3 : i32
      %dma_wait3A_483 = arith.constant 0 : i32
      %dma_wait3A_484 = tpu.memref_slice %arg7[%dma_wait3A_482, %dma_wait3A_483] : memref<4x32xi32, #tpu.memory_space<vmem>> -> memref<1x25xi32, #tpu.memory_space<vmem>>
      %dma_wait3A_485 = tpu.memref_squeeze %dma_wait3A_484 : memref<1x25xi32, #tpu.memory_space<vmem>> -> memref<25xi32, #tpu.memory_space<vmem>>
      %dma_wait3A_486 = arith.constant 0 : i32
      %dma_wait3A_487 = arith.constant 0 : i32
      %dma_wait3A_488 = arith.constant 0 : i32
      %dma_wait3A_489 = tpu.memref_slice %arg12[%dma_wait3A_486, %dma_wait3A_487, %dma_wait3A_488] : memref<256x8x128xf32, #tpu.memory_space<vmem_shared>> -> memref<256x8x128xf32, #tpu.memory_space<vmem_shared>>
      tpu.wait_indirect_dma semaphore(%arg16 : memref<!tpu.dma_semaphore, #tpu.memory_space<semaphore_mem>>) src(%dma_wait3A_489 : memref<256x8x128xf32, #tpu.memory_space<vmem_shared>>) dst(%arg11 : memref<25x8x128xf32, #tpu.memory_space<vmem>>)
      %sub3A_490 = arith.constant 2 : i32
      %sub3A_491 = arith.subi %add3A_418, %sub3A_490 : i32
      %mul3A_492 = arith.constant 3200 : i32
      %mul3A_493 = arith.muli %add3A, %mul3A_492 : i32
      %mul3A_494 = arith.constant 25 : i32
      %mul3A_495 = arith.muli %sub3A_491, %mul3A_494 : i32
      %add3A_496 = arith.addi %mul3A_493, %mul3A_495 : i32
      %dma_start3A_497 = arith.constant 0 : i32
      %dma_start3A_498 = arith.constant 0 : i32
      %dma_start3A_499 = tpu.memref_slice %arg4[%add3A_496, %dma_start3A_497, %dma_start3A_498] : memref<102400x8x128xf32, #tpu.memory_space<hbm>> -> memref<25x8x128xf32, #tpu.memory_space<hbm>>
      %dma_start3A_500 = arith.constant 0 : i32
      %dma_start3A_501 = arith.constant 0 : i32
      %dma_start3A_502 = tpu.memref_slice %arg4[%add3A_496, %dma_start3A_500, %dma_start3A_501] : memref<102400x8x128xf32, #tpu.memory_space<hbm>> -> memref<25x8x128xf32, #tpu.memory_space<hbm>>
      tpu.enqueue_dma source(%arg11 : memref<25x8x128xf32, #tpu.memory_space<vmem>>) target(%dma_start3A_502 : memref<25x8x128xf32, #tpu.memory_space<hbm>>) target_semaphore(%arg20 : memref<!tpu.dma_semaphore, #tpu.memory_space<semaphore_mem>>)
      %add3A_503 = arith.constant 2 : i32
      %add3A_504 = arith.addi %mul3A_333, %add3A_503 : i32
      %sub3A_505 = arith.constant 4 : i32
      %sub3A_506 = arith.subi %add3A_504, %sub3A_505 : i32
      %mul3A_507 = arith.constant 3200 : i32
      %mul3A_508 = arith.muli %add3A, %mul3A_507 : i32
      %mul3A_509 = arith.constant 25 : i32
      %mul3A_510 = arith.muli %sub3A_506, %mul3A_509 : i32
      %add3A_511 = arith.addi %mul3A_508, %mul3A_510 : i32
      %dma_wait3A_512 = arith.constant 0 : i32
      %dma_wait3A_513 = arith.constant 0 : i32
      %dma_wait3A_514 = tpu.memref_slice %arg4[%add3A_511, %dma_wait3A_512, %dma_wait3A_513] : memref<102400x8x128xf32, #tpu.memory_space<hbm>> -> memref<25x8x128xf32, #tpu.memory_space<hbm>>
      %dma_wait3A_515 = arith.constant 0 : i32
      %dma_wait3A_516 = arith.constant 0 : i32
      %dma_wait3A_517 = tpu.memref_slice %arg4[%add3A_511, %dma_wait3A_515, %dma_wait3A_516] : memref<102400x8x128xf32, #tpu.memory_space<hbm>> -> memref<25x8x128xf32, #tpu.memory_space<hbm>>
      tpu.wait_dma2 semaphore(%arg19 : memref<!tpu.dma_semaphore, #tpu.memory_space<semaphore_mem>>) src(%arg10 : memref<25x8x128xf32, #tpu.memory_space<vmem>>) dst(%dma_wait3A_517 : memref<25x8x128xf32, #tpu.memory_space<hbm>>)
      %iota3A_518 = tpu.iota {dimensions = array<i32: 0>} : vector<16xi32>
      %mul3A_519 = arith.constant 25 : i32
      %mul3A_520 = arith.muli %add3A_504, %mul3A_519 : i32
      %add3A_521 = arith.constant 0 : i32
      %add3A_522 = arith.addi %mul3A_520, %add3A_521 : i32
      %add3A_523 = vector.broadcast %add3A_522 : i32 to vector<16xi32>
      %add3A_524 = arith.addi %iota3A_518, %add3A_523 : vector<16xi32>
      %min3A_525 = arith.constant 3199 : i32
      %min3A_526 = vector.broadcast %min3A_525 : i32 to vector<16xi32>
      %min3A_527 = arith.minsi %add3A_524, %min3A_526 : vector<16xi32>
      %shift_right_arithmetic3A_528 = arith.constant 7 : i32
      %shift_right_arithmetic3A_529 = vector.broadcast %shift_right_arithmetic3A_528 : i32 to vector<16xi32>
      %shift_right_arithmetic3A_530 = arith.shrsi %min3A_527, %shift_right_arithmetic3A_529 : vector<16xi32>
      %and3A_531 = arith.constant 127 : i32
      %and3A_532 = vector.broadcast %and3A_531 : i32 to vector<16xi32>
      %and3A_533 = arith.andi %min3A_527, %and3A_532 : vector<16xi32>
      %gather3A_534 = tpu.vector_load_idx %arg5[%shift_right_arithmetic3A_530, %and3A_533] : memref<25x128xi32, #tpu.memory_space<vmem>>[vector<16xi32>, vector<16xi32>], vector<16xi32>,
      %swap3A_535 = arith.constant 2 : i32
      %swap3A_536 = arith.index_cast %swap3A_535 : i32 to index
      %swap3A_537 = arith.constant 0 : index
      %swap3A_538 = tpu.vector_load %arg7[%swap3A_536, %swap3A_537] {strides = array<i32>} : memref<4x32xi32, #tpu.memory_space<vmem>>, vector<16xi32>,
      tpu.vector_store %arg7[%swap3A_536, %swap3A_537], %gather3A_534 {strides = array<i32>} : memref<4x32xi32, #tpu.memory_space<vmem>>, vector<16xi32>,
      %iota3A_539 = tpu.iota {dimensions = array<i32: 0>} : vector<16xi32>
      %mul3A_540 = arith.constant 25 : i32
      %mul3A_541 = arith.muli %add3A_504, %mul3A_540 : i32
      %add3A_542 = arith.constant 16 : i32
      %add3A_543 = arith.addi %mul3A_541, %add3A_542 : i32
      %add3A_544 = vector.broadcast %add3A_543 : i32 to vector<16xi32>
      %add3A_545 = arith.addi %iota3A_539, %add3A_544 : vector<16xi32>
      %min3A_546 = arith.constant 3199 : i32
      %min3A_547 = vector.broadcast %min3A_546 : i32 to vector<16xi32>
      %min3A_548 = arith.minsi %add3A_545, %min3A_547 : vector<16xi32>
      %shift_right_arithmetic3A_549 = arith.constant 7 : i32
      %shift_right_arithmetic3A_550 = vector.broadcast %shift_right_arithmetic3A_549 : i32 to vector<16xi32>
      %shift_right_arithmetic3A_551 = arith.shrsi %min3A_548, %shift_right_arithmetic3A_550 : vector<16xi32>
      %and3A_552 = arith.constant 127 : i32
      %and3A_553 = vector.broadcast %and3A_552 : i32 to vector<16xi32>
      %and3A_554 = arith.andi %min3A_548, %and3A_553 : vector<16xi32>
      %gather3A_555 = tpu.vector_load_idx %arg5[%shift_right_arithmetic3A_551, %and3A_554] : memref<25x128xi32, #tpu.memory_space<vmem>>[vector<16xi32>, vector<16xi32>], vector<16xi32>,
      %swap3A_556 = arith.constant 2 : i32
      %swap3A_557 = arith.index_cast %swap3A_556 : i32 to index
      %swap3A_558 = arith.constant 16 : index
      %swap3A_559 = tpu.vector_load %arg7[%swap3A_557, %swap3A_558] {strides = array<i32>} : memref<4x32xi32, #tpu.memory_space<vmem>>, vector<16xi32>,
      tpu.vector_store %arg7[%swap3A_557, %swap3A_558], %gather3A_555 {strides = array<i32>} : memref<4x32xi32, #tpu.memory_space<vmem>>, vector<16xi32>,
      %dma_start3A_560 = arith.constant 2 : i32
      %dma_start3A_561 = arith.constant 0 : i32
      %dma_start3A_562 = tpu.memref_slice %arg7[%dma_start3A_560, %dma_start3A_561] : memref<4x32xi32, #tpu.memory_space<vmem>> -> memref<1x25xi32, #tpu.memory_space<vmem>>
      %dma_start3A_563 = tpu.memref_squeeze %dma_start3A_562 : memref<1x25xi32, #tpu.memory_space<vmem>> -> memref<25xi32, #tpu.memory_space<vmem>>
      %dma_start3A_564 = arith.constant 0 : i32
      %dma_start3A_565 = arith.constant 0 : i32
      %dma_start3A_566 = arith.constant 0 : i32
      %dma_start3A_567 = tpu.memref_slice %arg12[%dma_start3A_564, %dma_start3A_565, %dma_start3A_566] : memref<256x8x128xf32, #tpu.memory_space<vmem_shared>> -> memref<256x8x128xf32, #tpu.memory_space<vmem_shared>>
      tpu.enqueue_indirect_dma source(%dma_start3A_567 : memref<256x8x128xf32, #tpu.memory_space<vmem_shared>>) target(%arg10 : memref<25x8x128xf32, #tpu.memory_space<vmem>>) offsets(%dma_start3A_563 : memref<25xi32, #tpu.memory_space<vmem>>) semaphore(%arg15 : memref<!tpu.dma_semaphore, #tpu.memory_space<semaphore_mem>>)
      %dma_wait3A_568 = arith.constant 0 : i32
      %dma_wait3A_569 = arith.constant 0 : i32
      %dma_wait3A_570 = tpu.memref_slice %arg7[%dma_wait3A_568, %dma_wait3A_569] : memref<4x32xi32, #tpu.memory_space<vmem>> -> memref<1x25xi32, #tpu.memory_space<vmem>>
      %dma_wait3A_571 = tpu.memref_squeeze %dma_wait3A_570 : memref<1x25xi32, #tpu.memory_space<vmem>> -> memref<25xi32, #tpu.memory_space<vmem>>
      %dma_wait3A_572 = arith.constant 0 : i32
      %dma_wait3A_573 = arith.constant 0 : i32
      %dma_wait3A_574 = arith.constant 0 : i32
      %dma_wait3A_575 = tpu.memref_slice %arg12[%dma_wait3A_572, %dma_wait3A_573, %dma_wait3A_574] : memref<256x8x128xf32, #tpu.memory_space<vmem_shared>> -> memref<256x8x128xf32, #tpu.memory_space<vmem_shared>>
      tpu.wait_indirect_dma semaphore(%arg13 : memref<!tpu.dma_semaphore, #tpu.memory_space<semaphore_mem>>) src(%dma_wait3A_575 : memref<256x8x128xf32, #tpu.memory_space<vmem_shared>>) dst(%arg8 : memref<25x8x128xf32, #tpu.memory_space<vmem>>)
      %sub3A_576 = arith.constant 2 : i32
      %sub3A_577 = arith.subi %add3A_504, %sub3A_576 : i32
      %mul3A_578 = arith.constant 3200 : i32
      %mul3A_579 = arith.muli %add3A, %mul3A_578 : i32
      %mul3A_580 = arith.constant 25 : i32
      %mul3A_581 = arith.muli %sub3A_577, %mul3A_580 : i32
      %add3A_582 = arith.addi %mul3A_579, %mul3A_581 : i32
      %dma_start3A_583 = arith.constant 0 : i32
      %dma_start3A_584 = arith.constant 0 : i32
      %dma_start3A_585 = tpu.memref_slice %arg4[%add3A_582, %dma_start3A_583, %dma_start3A_584] : memref<102400x8x128xf32, #tpu.memory_space<hbm>> -> memref<25x8x128xf32, #tpu.memory_space<hbm>>
      %dma_start3A_586 = arith.constant 0 : i32
      %dma_start3A_587 = arith.constant 0 : i32
      %dma_start3A_588 = tpu.memref_slice %arg4[%add3A_582, %dma_start3A_586, %dma_start3A_587] : memref<102400x8x128xf32, #tpu.memory_space<hbm>> -> memref<25x8x128xf32, #tpu.memory_space<hbm>>
      tpu.enqueue_dma source(%arg8 : memref<25x8x128xf32, #tpu.memory_space<vmem>>) target(%dma_start3A_588 : memref<25x8x128xf32, #tpu.memory_space<hbm>>) target_semaphore(%arg17 : memref<!tpu.dma_semaphore, #tpu.memory_space<semaphore_mem>>)
      %add3A_589 = arith.constant 3 : i32
      %add3A_590 = arith.addi %mul3A_333, %add3A_589 : i32
      %sub3A_591 = arith.constant 4 : i32
      %sub3A_592 = arith.subi %add3A_590, %sub3A_591 : i32
      %mul3A_593 = arith.constant 3200 : i32
      %mul3A_594 = arith.muli %add3A, %mul3A_593 : i32
      %mul3A_595 = arith.constant 25 : i32
      %mul3A_596 = arith.muli %sub3A_592, %mul3A_595 : i32
      %add3A_597 = arith.addi %mul3A_594, %mul3A_596 : i32
      %dma_wait3A_598 = arith.constant 0 : i32
      %dma_wait3A_599 = arith.constant 0 : i32
      %dma_wait3A_600 = tpu.memref_slice %arg4[%add3A_597, %dma_wait3A_598, %dma_wait3A_599] : memref<102400x8x128xf32, #tpu.memory_space<hbm>> -> memref<25x8x128xf32, #tpu.memory_space<hbm>>
      %dma_wait3A_601 = arith.constant 0 : i32
      %dma_wait3A_602 = arith.constant 0 : i32
      %dma_wait3A_603 = tpu.memref_slice %arg4[%add3A_597, %dma_wait3A_601, %dma_wait3A_602] : memref<102400x8x128xf32, #tpu.memory_space<hbm>> -> memref<25x8x128xf32, #tpu.memory_space<hbm>>
      tpu.wait_dma2 semaphore(%arg20 : memref<!tpu.dma_semaphore, #tpu.memory_space<semaphore_mem>>) src(%arg11 : memref<25x8x128xf32, #tpu.memory_space<vmem>>) dst(%dma_wait3A_603 : memref<25x8x128xf32, #tpu.memory_space<hbm>>)
      %iota3A_604 = tpu.iota {dimensions = array<i32: 0>} : vector<16xi32>
      %mul3A_605 = arith.constant 25 : i32
      %mul3A_606 = arith.muli %add3A_590, %mul3A_605 : i32
      %add3A_607 = arith.constant 0 : i32
      %add3A_608 = arith.addi %mul3A_606, %add3A_607 : i32
      %add3A_609 = vector.broadcast %add3A_608 : i32 to vector<16xi32>
      %add3A_610 = arith.addi %iota3A_604, %add3A_609 : vector<16xi32>
      %min3A_611 = arith.constant 3199 : i32
      %min3A_612 = vector.broadcast %min3A_611 : i32 to vector<16xi32>
      %min3A_613 = arith.minsi %add3A_610, %min3A_612 : vector<16xi32>
      %shift_right_arithmetic3A_614 = arith.constant 7 : i32
      %shift_right_arithmetic3A_615 = vector.broadcast %shift_right_arithmetic3A_614 : i32 to vector<16xi32>
      %shift_right_arithmetic3A_616 = arith.shrsi %min3A_613, %shift_right_arithmetic3A_615 : vector<16xi32>
      %and3A_617 = arith.constant 127 : i32
      %and3A_618 = vector.broadcast %and3A_617 : i32 to vector<16xi32>
      %and3A_619 = arith.andi %min3A_613, %and3A_618 : vector<16xi32>
      %gather3A_620 = tpu.vector_load_idx %arg5[%shift_right_arithmetic3A_616, %and3A_619] : memref<25x128xi32, #tpu.memory_space<vmem>>[vector<16xi32>, vector<16xi32>], vector<16xi32>,
      %swap3A_621 = arith.constant 3 : i32
      %swap3A_622 = arith.index_cast %swap3A_621 : i32 to index
      %swap3A_623 = arith.constant 0 : index
      %swap3A_624 = tpu.vector_load %arg7[%swap3A_622, %swap3A_623] {strides = array<i32>} : memref<4x32xi32, #tpu.memory_space<vmem>>, vector<16xi32>,
      tpu.vector_store %arg7[%swap3A_622, %swap3A_623], %gather3A_620 {strides = array<i32>} : memref<4x32xi32, #tpu.memory_space<vmem>>, vector<16xi32>,
      %iota3A_625 = tpu.iota {dimensions = array<i32: 0>} : vector<16xi32>
      %mul3A_626 = arith.constant 25 : i32
      %mul3A_627 = arith.muli %add3A_590, %mul3A_626 : i32
      %add3A_628 = arith.constant 16 : i32
      %add3A_629 = arith.addi %mul3A_627, %add3A_628 : i32
      %add3A_630 = vector.broadcast %add3A_629 : i32 to vector<16xi32>
      %add3A_631 = arith.addi %iota3A_625, %add3A_630 : vector<16xi32>
      %min3A_632 = arith.constant 3199 : i32
      %min3A_633 = vector.broadcast %min3A_632 : i32 to vector<16xi32>
      %min3A_634 = arith.minsi %add3A_631, %min3A_633 : vector<16xi32>
      %shift_right_arithmetic3A_635 = arith.constant 7 : i32
      %shift_right_arithmetic3A_636 = vector.broadcast %shift_right_arithmetic3A_635 : i32 to vector<16xi32>
      %shift_right_arithmetic3A_637 = arith.shrsi %min3A_634, %shift_right_arithmetic3A_636 : vector<16xi32>
      %and3A_638 = arith.constant 127 : i32
      %and3A_639 = vector.broadcast %and3A_638 : i32 to vector<16xi32>
      %and3A_640 = arith.andi %min3A_634, %and3A_639 : vector<16xi32>
      %gather3A_641 = tpu.vector_load_idx %arg5[%shift_right_arithmetic3A_637, %and3A_640] : memref<25x128xi32, #tpu.memory_space<vmem>>[vector<16xi32>, vector<16xi32>], vector<16xi32>,
      %swap3A_642 = arith.constant 3 : i32
      %swap3A_643 = arith.index_cast %swap3A_642 : i32 to index
      %swap3A_644 = arith.constant 16 : index
      %swap3A_645 = tpu.vector_load %arg7[%swap3A_643, %swap3A_644] {strides = array<i32>} : memref<4x32xi32, #tpu.memory_space<vmem>>, vector<16xi32>,
      tpu.vector_store %arg7[%swap3A_643, %swap3A_644], %gather3A_641 {strides = array<i32>} : memref<4x32xi32, #tpu.memory_space<vmem>>, vector<16xi32>,
      %dma_start3A_646 = arith.constant 3 : i32
      %dma_start3A_647 = arith.constant 0 : i32
      %dma_start3A_648 = tpu.memref_slice %arg7[%dma_start3A_646, %dma_start3A_647] : memref<4x32xi32, #tpu.memory_space<vmem>> -> memref<1x25xi32, #tpu.memory_space<vmem>>
      %dma_start3A_649 = tpu.memref_squeeze %dma_start3A_648 : memref<1x25xi32, #tpu.memory_space<vmem>> -> memref<25xi32, #tpu.memory_space<vmem>>
      %dma_start3A_650 = arith.constant 0 : i32
      %dma_start3A_651 = arith.constant 0 : i32
      %dma_start3A_652 = arith.constant 0 : i32
      %dma_start3A_653 = tpu.memref_slice %arg12[%dma_start3A_650, %dma_start3A_651, %dma_start3A_652] : memref<256x8x128xf32, #tpu.memory_space<vmem_shared>> -> memref<256x8x128xf32, #tpu.memory_space<vmem_shared>>
      tpu.enqueue_indirect_dma source(%dma_start3A_653 : memref<256x8x128xf32, #tpu.memory_space<vmem_shared>>) target(%arg11 : memref<25x8x128xf32, #tpu.memory_space<vmem>>) offsets(%dma_start3A_649 : memref<25xi32, #tpu.memory_space<vmem>>) semaphore(%arg16 : memref<!tpu.dma_semaphore, #tpu.memory_space<semaphore_mem>>)
      %dma_wait3A_654 = arith.constant 1 : i32
      %dma_wait3A_655 = arith.constant 0 : i32
      %dma_wait3A_656 = tpu.memref_slice %arg7[%dma_wait3A_654, %dma_wait3A_655] : memref<4x32xi32, #tpu.memory_space<vmem>> -> memref<1x25xi32, #tpu.memory_space<vmem>>
      %dma_wait3A_657 = tpu.memref_squeeze %dma_wait3A_656 : memref<1x25xi32, #tpu.memory_space<vmem>> -> memref<25xi32, #tpu.memory_space<vmem>>
      %dma_wait3A_658 = arith.constant 0 : i32
      %dma_wait3A_659 = arith.constant 0 : i32
      %dma_wait3A_660 = arith.constant 0 : i32
      %dma_wait3A_661 = tpu.memref_slice %arg12[%dma_wait3A_658, %dma_wait3A_659, %dma_wait3A_660] : memref<256x8x128xf32, #tpu.memory_space<vmem_shared>> -> memref<256x8x128xf32, #tpu.memory_space<vmem_shared>>
      tpu.wait_indirect_dma semaphore(%arg14 : memref<!tpu.dma_semaphore, #tpu.memory_space<semaphore_mem>>) src(%dma_wait3A_661 : memref<256x8x128xf32, #tpu.memory_space<vmem_shared>>) dst(%arg9 : memref<25x8x128xf32, #tpu.memory_space<vmem>>)
      %sub3A_662 = arith.constant 2 : i32
      %sub3A_663 = arith.subi %add3A_590, %sub3A_662 : i32
      %mul3A_664 = arith.constant 3200 : i32
      %mul3A_665 = arith.muli %add3A, %mul3A_664 : i32
      %mul3A_666 = arith.constant 25 : i32
      %mul3A_667 = arith.muli %sub3A_663, %mul3A_666 : i32
      %add3A_668 = arith.addi %mul3A_665, %mul3A_667 : i32
      %dma_start3A_669 = arith.constant 0 : i32
      %dma_start3A_670 = arith.constant 0 : i32
      %dma_start3A_671 = tpu.memref_slice %arg4[%add3A_668, %dma_start3A_669, %dma_start3A_670] : memref<102400x8x128xf32, #tpu.memory_space<hbm>> -> memref<25x8x128xf32, #tpu.memory_space<hbm>>
      %dma_start3A_672 = arith.constant 0 : i32
      %dma_start3A_673 = arith.constant 0 : i32
      %dma_start3A_674 = tpu.memref_slice %arg4[%add3A_668, %dma_start3A_672, %dma_start3A_673] : memref<102400x8x128xf32, #tpu.memory_space<hbm>> -> memref<25x8x128xf32, #tpu.memory_space<hbm>>
      tpu.enqueue_dma source(%arg9 : memref<25x8x128xf32, #tpu.memory_space<vmem>>) target(%dma_start3A_674 : memref<25x8x128xf32, #tpu.memory_space<hbm>>) target_semaphore(%arg18 : memref<!tpu.dma_semaphore, #tpu.memory_space<semaphore_mem>>)
    }
    %scan3A_254 = arith.constant 31 : i32
    %dma_wait3A_255 = arith.constant 2 : i32
    %dma_wait3A_256 = arith.constant 0 : i32
    %dma_wait3A_257 = tpu.memref_slice %arg7[%dma_wait3A_255, %dma_wait3A_256] : memref<4x32xi32, #tpu.memory_space<vmem>> -> memref<1x25xi32, #tpu.memory_space<vmem>>
    %dma_wait3A_258 = tpu.memref_squeeze %dma_wait3A_257 : memref<1x25xi32, #tpu.memory_space<vmem>> -> memref<25xi32, #tpu.memory_space<vmem>>
    %dma_wait3A_259 = arith.constant 0 : i32
    %dma_wait3A_260 = arith.constant 0 : i32
    %dma_wait3A_261 = arith.constant 0 : i32
    %dma_wait3A_262 = tpu.memref_slice %arg12[%dma_wait3A_259, %dma_wait3A_260, %dma_wait3A_261] : memref<256x8x128xf32, #tpu.memory_space<vmem_shared>> -> memref<256x8x128xf32, #tpu.memory_space<vmem_shared>>
    tpu.wait_indirect_dma semaphore(%arg15 : memref<!tpu.dma_semaphore, #tpu.memory_space<semaphore_mem>>) src(%dma_wait3A_262 : memref<256x8x128xf32, #tpu.memory_space<vmem_shared>>) dst(%arg10 : memref<25x8x128xf32, #tpu.memory_space<vmem>>)
    %mul3A_263 = arith.constant 3200 : i32
    %mul3A_264 = arith.muli %add3A, %mul3A_263 : i32
    %add3A_265 = arith.constant 3150 : i32
    %add3A_266 = arith.addi %mul3A_264, %add3A_265 : i32
    %dma_start3A_267 = arith.constant 0 : i32
    %dma_start3A_268 = arith.constant 0 : i32
    %dma_start3A_269 = tpu.memref_slice %arg4[%add3A_266, %dma_start3A_267, %dma_start3A_268] : memref<102400x8x128xf32, #tpu.memory_space<hbm>> -> memref<25x8x128xf32, #tpu.memory_space<hbm>>
    %dma_start3A_270 = arith.constant 0 : i32
    %dma_start3A_271 = arith.constant 0 : i32
    %dma_start3A_272 = tpu.memref_slice %arg4[%add3A_266, %dma_start3A_270, %dma_start3A_271] : memref<102400x8x128xf32, #tpu.memory_space<hbm>> -> memref<25x8x128xf32, #tpu.memory_space<hbm>>
    tpu.enqueue_dma source(%arg10 : memref<25x8x128xf32, #tpu.memory_space<vmem>>) target(%dma_start3A_272 : memref<25x8x128xf32, #tpu.memory_space<hbm>>) target_semaphore(%arg19 : memref<!tpu.dma_semaphore, #tpu.memory_space<semaphore_mem>>)
    %dma_wait3A_273 = arith.constant 3 : i32
    %dma_wait3A_274 = arith.constant 0 : i32
    %dma_wait3A_275 = tpu.memref_slice %arg7[%dma_wait3A_273, %dma_wait3A_274] : memref<4x32xi32, #tpu.memory_space<vmem>> -> memref<1x25xi32, #tpu.memory_space<vmem>>
    %dma_wait3A_276 = tpu.memref_squeeze %dma_wait3A_275 : memref<1x25xi32, #tpu.memory_space<vmem>> -> memref<25xi32, #tpu.memory_space<vmem>>
    %dma_wait3A_277 = arith.constant 0 : i32
    %dma_wait3A_278 = arith.constant 0 : i32
    %dma_wait3A_279 = arith.constant 0 : i32
    %dma_wait3A_280 = tpu.memref_slice %arg12[%dma_wait3A_277, %dma_wait3A_278, %dma_wait3A_279] : memref<256x8x128xf32, #tpu.memory_space<vmem_shared>> -> memref<256x8x128xf32, #tpu.memory_space<vmem_shared>>
    tpu.wait_indirect_dma semaphore(%arg16 : memref<!tpu.dma_semaphore, #tpu.memory_space<semaphore_mem>>) src(%dma_wait3A_280 : memref<256x8x128xf32, #tpu.memory_space<vmem_shared>>) dst(%arg11 : memref<25x8x128xf32, #tpu.memory_space<vmem>>)
    %mul3A_281 = arith.constant 3200 : i32
    %mul3A_282 = arith.muli %add3A, %mul3A_281 : i32
    %add3A_283 = arith.constant 3175 : i32
    %add3A_284 = arith.addi %mul3A_282, %add3A_283 : i32
    %dma_start3A_285 = arith.constant 0 : i32
    %dma_start3A_286 = arith.constant 0 : i32
    %dma_start3A_287 = tpu.memref_slice %arg4[%add3A_284, %dma_start3A_285, %dma_start3A_286] : memref<102400x8x128xf32, #tpu.memory_space<hbm>> -> memref<25x8x128xf32, #tpu.memory_space<hbm>>
    %dma_start3A_288 = arith.constant 0 : i32
    %dma_start3A_289 = arith.constant 0 : i32
    %dma_start3A_290 = tpu.memref_slice %arg4[%add3A_284, %dma_start3A_288, %dma_start3A_289] : memref<102400x8x128xf32, #tpu.memory_space<hbm>> -> memref<25x8x128xf32, #tpu.memory_space<hbm>>
    tpu.enqueue_dma source(%arg11 : memref<25x8x128xf32, #tpu.memory_space<vmem>>) target(%dma_start3A_290 : memref<25x8x128xf32, #tpu.memory_space<hbm>>) target_semaphore(%arg20 : memref<!tpu.dma_semaphore, #tpu.memory_space<semaphore_mem>>)
    %mul3A_291 = arith.constant 3200 : i32
    %mul3A_292 = arith.muli %add3A, %mul3A_291 : i32
    %add3A_293 = arith.constant 3100 : i32
    %add3A_294 = arith.addi %mul3A_292, %add3A_293 : i32
    %dma_wait3A_295 = arith.constant 0 : i32
    %dma_wait3A_296 = arith.constant 0 : i32
    %dma_wait3A_297 = tpu.memref_slice %arg4[%add3A_294, %dma_wait3A_295, %dma_wait3A_296] : memref<102400x8x128xf32, #tpu.memory_space<hbm>> -> memref<25x8x128xf32, #tpu.memory_space<hbm>>
    %dma_wait3A_298 = arith.constant 0 : i32
    %dma_wait3A_299 = arith.constant 0 : i32
    %dma_wait3A_300 = tpu.memref_slice %arg4[%add3A_294, %dma_wait3A_298, %dma_wait3A_299] : memref<102400x8x128xf32, #tpu.memory_space<hbm>> -> memref<25x8x128xf32, #tpu.memory_space<hbm>>
    tpu.wait_dma2 semaphore(%arg17 : memref<!tpu.dma_semaphore, #tpu.memory_space<semaphore_mem>>) src(%arg8 : memref<25x8x128xf32, #tpu.memory_space<vmem>>) dst(%dma_wait3A_300 : memref<25x8x128xf32, #tpu.memory_space<hbm>>)
    %mul3A_301 = arith.constant 3200 : i32
    %mul3A_302 = arith.muli %add3A, %mul3A_301 : i32
    %add3A_303 = arith.constant 3125 : i32
    %add3A_304 = arith.addi %mul3A_302, %add3A_303 : i32
    %dma_wait3A_305 = arith.constant 0 : i32
    %dma_wait3A_306 = arith.constant 0 : i32
    %dma_wait3A_307 = tpu.memref_slice %arg4[%add3A_304, %dma_wait3A_305, %dma_wait3A_306] : memref<102400x8x128xf32, #tpu.memory_space<hbm>> -> memref<25x8x128xf32, #tpu.memory_space<hbm>>
    %dma_wait3A_308 = arith.constant 0 : i32
    %dma_wait3A_309 = arith.constant 0 : i32
    %dma_wait3A_310 = tpu.memref_slice %arg4[%add3A_304, %dma_wait3A_308, %dma_wait3A_309] : memref<102400x8x128xf32, #tpu.memory_space<hbm>> -> memref<25x8x128xf32, #tpu.memory_space<hbm>>
    tpu.wait_dma2 semaphore(%arg18 : memref<!tpu.dma_semaphore, #tpu.memory_space<semaphore_mem>>) src(%arg9 : memref<25x8x128xf32, #tpu.memory_space<vmem>>) dst(%dma_wait3A_310 : memref<25x8x128xf32, #tpu.memory_space<hbm>>)
    %mul3A_311 = arith.constant 3200 : i32
    %mul3A_312 = arith.muli %add3A, %mul3A_311 : i32
    %add3A_313 = arith.constant 3150 : i32
    %add3A_314 = arith.addi %mul3A_312, %add3A_313 : i32
    %dma_wait3A_315 = arith.constant 0 : i32
    %dma_wait3A_316 = arith.constant 0 : i32
    %dma_wait3A_317 = tpu.memref_slice %arg4[%add3A_314, %dma_wait3A_315, %dma_wait3A_316] : memref<102400x8x128xf32, #tpu.memory_space<hbm>> -> memref<25x8x128xf32, #tpu.memory_space<hbm>>
    %dma_wait3A_318 = arith.constant 0 : i32
    %dma_wait3A_319 = arith.constant 0 : i32
    %dma_wait3A_320 = tpu.memref_slice %arg4[%add3A_314, %dma_wait3A_318, %dma_wait3A_319] : memref<102400x8x128xf32, #tpu.memory_space<hbm>> -> memref<25x8x128xf32, #tpu.memory_space<hbm>>
    tpu.wait_dma2 semaphore(%arg19 : memref<!tpu.dma_semaphore, #tpu.memory_space<semaphore_mem>>) src(%arg10 : memref<25x8x128xf32, #tpu.memory_space<vmem>>) dst(%dma_wait3A_320 : memref<25x8x128xf32, #tpu.memory_space<hbm>>)
    %mul3A_321 = arith.constant 3200 : i32
    %mul3A_322 = arith.muli %add3A, %mul3A_321 : i32
    %add3A_323 = arith.constant 3175 : i32
    %add3A_324 = arith.addi %mul3A_322, %add3A_323 : i32
    %dma_wait3A_325 = arith.constant 0 : i32
    %dma_wait3A_326 = arith.constant 0 : i32
    %dma_wait3A_327 = tpu.memref_slice %arg4[%add3A_324, %dma_wait3A_325, %dma_wait3A_326] : memref<102400x8x128xf32, #tpu.memory_space<hbm>> -> memref<25x8x128xf32, #tpu.memory_space<hbm>>
    %dma_wait3A_328 = arith.constant 0 : i32
    %dma_wait3A_329 = arith.constant 0 : i32
    %dma_wait3A_330 = tpu.memref_slice %arg4[%add3A_324, %dma_wait3A_328, %dma_wait3A_329] : memref<102400x8x128xf32, #tpu.memory_space<hbm>> -> memref<25x8x128xf32, #tpu.memory_space<hbm>>
    tpu.wait_dma2 semaphore(%arg20 : memref<!tpu.dma_semaphore, #tpu.memory_space<semaphore_mem>>) src(%arg11 : memref<25x8x128xf32, #tpu.memory_space<vmem>>) dst(%dma_wait3A_330 : memref<25x8x128xf32, #tpu.memory_space<hbm>>)
    return
  }
}

module attributes {stable_mosaic.version = 14 : i64} {
  func.func @_prep_body(%arg0: memref<800x1024xi32, #tpu.memory_space<vmem>>, %arg1: memref<2x100xf32, #tpu.memory_space<vmem>>, %arg2: memref<100xf32, #tpu.memory_space<vmem>>, %arg3: memref<100xf32, #tpu.memory_space<vmem>>, %arg4: memref<256x8x128xf32, #tpu.memory_space<vmem>>, %arg5: memref<800x128xi32, #tpu.memory_space<vmem>>) attributes {dimension_semantics = [], scalar_prefetch = 0 : i64, scratch_operands = 0 : i64, tpu.core_type = #tpu.core_type<tc>} {
    %get3A = arith.constant 0 : index
    %get3A_0 = arith.constant 0 : index
    %get3A_1 = vector.load %arg1[%get3A, %get3A_0] : memref<2x100xf32, #tpu.memory_space<vmem>>, vector<2x100xf32>
    %reduce_sum3A = arith.constant dense<0.000000e+00> : vector<2xf32>
    %reduce_sum3A_2 = vector.multi_reduction <add>, %get3A_1, %reduce_sum3A [1] : vector<2x100xf32> to vector<2xf32>
    %broadcast_in_dim3A = vector.shape_cast %reduce_sum3A_2 : vector<2xf32> to vector<2x1xf32>
    %div3A = arith.constant 1.000000e+02 : f32
    %div3A_3 = vector.broadcast %div3A : f32 to vector<2x1xf32>
    %div3A_4 = arith.divf %broadcast_in_dim3A, %div3A_3 : vector<2x1xf32>
    %sub3A = vector.broadcast %div3A_4 : vector<2x1xf32> to vector<2x100xf32>
    %sub3A_5 = arith.subf %get3A_1, %sub3A : vector<2x100xf32>
    %square3A = arith.mulf %sub3A_5, %sub3A_5 : vector<2x100xf32>
    %reduce_sum3A_6 = arith.constant dense<0.000000e+00> : vector<2xf32>
    %reduce_sum3A_7 = vector.multi_reduction <add>, %square3A, %reduce_sum3A_6 [1] : vector<2x100xf32> to vector<2xf32>
    %broadcast_in_dim3A_8 = vector.shape_cast %reduce_sum3A_7 : vector<2xf32> to vector<2x1xf32>
    %div3A_9 = arith.constant 1.000000e+02 : f32
    %div3A_10 = vector.broadcast %div3A_9 : f32 to vector<2x1xf32>
    %div3A_11 = arith.divf %broadcast_in_dim3A_8, %div3A_10 : vector<2x1xf32>
    %sub3A_12 = vector.broadcast %div3A_4 : vector<2x1xf32> to vector<2x100xf32>
    %sub3A_13 = arith.subf %get3A_1, %sub3A_12 : vector<2x100xf32>
    %add3A = arith.constant 9.99999996E-13 : f32
    %add3A_14 = vector.broadcast %add3A : f32 to vector<2x1xf32>
    %add3A_15 = arith.addf %div3A_11, %add3A_14 : vector<2x1xf32>
    %sqrt3A = math.sqrt %add3A_15 : vector<2x1xf32>
    %div3A_16 = vector.broadcast %sqrt3A : vector<2x1xf32> to vector<2x100xf32>
    %div3A_17 = arith.divf %sub3A_13, %div3A_16 : vector<2x100xf32>
    %get3A_18 = arith.constant 0 : index
    %get3A_19 = vector.load %arg2[%get3A_18] : memref<100xf32, #tpu.memory_space<vmem>>, vector<100xf32>
    %broadcast_in_dim3A_20 = vector.shape_cast %get3A_19 : vector<100xf32> to vector<1x100xf32>
    %mul3A = vector.broadcast %broadcast_in_dim3A_20 : vector<1x100xf32> to vector<2x100xf32>
    %mul3A_21 = arith.mulf %div3A_17, %mul3A : vector<2x100xf32>
    %get3A_22 = arith.constant 0 : index
    %get3A_23 = vector.load %arg3[%get3A_22] : memref<100xf32, #tpu.memory_space<vmem>>, vector<100xf32>
    %broadcast_in_dim3A_24 = vector.shape_cast %get3A_23 : vector<100xf32> to vector<1x100xf32>
    %add3A_25 = vector.broadcast %broadcast_in_dim3A_24 : vector<1x100xf32> to vector<2x100xf32>
    %add3A_26 = arith.addf %mul3A_21, %add3A_25 : vector<2x100xf32>
    %broadcast_in_dim3A_27 = arith.constant 0.000000e+00 : f32
    %broadcast_in_dim3A_28 = vector.broadcast %broadcast_in_dim3A_27 : f32 to vector<2x28xf32>
    %concatenate3A = tpu.concatenate %add3A_26, %broadcast_in_dim3A_28 in 1 : vector<2x100xf32>, vector<2x28xf32> -> vector<2x128xf32>
    %iota3A = tpu.iota {dimensions = array<i32: 0>} : vector<256x8x128xi32>
    %and3A = arith.constant 255 : i32
    %and3A_29 = vector.broadcast %and3A : i32 to vector<256x8x128xi32>
    %and3A_30 = arith.andi %iota3A, %and3A_29 : vector<256x8x128xi32>
    %iota3A_31 = tpu.iota {dimensions = array<i32: 1>} : vector<256x8x128xi32>
    %shift_right_arithmetic3A = arith.shrsi %and3A_30, %iota3A_31 : vector<256x8x128xi32>
    %and3A_32 = arith.constant 1 : i32
    %and3A_33 = vector.broadcast %and3A_32 : i32 to vector<256x8x128xi32>
    %and3A_34 = arith.andi %shift_right_arithmetic3A, %and3A_33 : vector<256x8x128xi32>
    %eq3A = arith.constant 1 : i32
    %eq3A_35 = vector.broadcast %eq3A : i32 to vector<256x8x128xi32>
    %eq3A_36 = arith.cmpi eq, %and3A_34, %eq3A_35 : vector<256x8x128xi32>
    %slice3A = vector.extract_strided_slice %concatenate3A {offsets = [1, 0], sizes = [1, 128], strides = [1, 1]} : vector<2x128xf32> to vector<1x128xf32>
    %squeeze3A = vector.shape_cast %slice3A : vector<1x128xf32> to vector<128xf32>
    %broadcast_in_dim3A_37 = vector.shape_cast %squeeze3A : vector<128xf32> to vector<1x1x128xf32>
    %slice3A_38 = vector.extract_strided_slice %concatenate3A {offsets = [0, 0], sizes = [1, 128], strides = [1, 1]} : vector<2x128xf32> to vector<1x128xf32>
    %squeeze3A_39 = vector.shape_cast %slice3A_38 : vector<1x128xf32> to vector<128xf32>
    %broadcast_in_dim3A_40 = vector.shape_cast %squeeze3A_39 : vector<128xf32> to vector<1x1x128xf32>
    %broadcast_in_dim3A_41 = vector.shape_cast %broadcast_in_dim3A_37 : vector<1x1x128xf32> to vector<1x1x128xf32>
    %broadcast_in_dim3A_42 = vector.broadcast %broadcast_in_dim3A_41 : vector<1x1x128xf32> to vector<256x8x128xf32>
    %broadcast_in_dim3A_43 = vector.shape_cast %broadcast_in_dim3A_40 : vector<1x1x128xf32> to vector<1x1x128xf32>
    %broadcast_in_dim3A_44 = vector.broadcast %broadcast_in_dim3A_43 : vector<1x1x128xf32> to vector<256x8x128xf32>
    %select_n3A = arith.select %eq3A_36, %broadcast_in_dim3A_42, %broadcast_in_dim3A_44 : vector<256x8x128xi1>, vector<256x8x128xf32>
    %swap3A = arith.constant 0 : index
    %swap3A_45 = arith.constant 0 : index
    %swap3A_46 = arith.constant 0 : index
    %swap3A_47 = vector.load %arg4[%swap3A, %swap3A_45, %swap3A_46] : memref<256x8x128xf32, #tpu.memory_space<vmem>>, vector<256x8x128xf32>
    tpu.vector_store %arg4[%swap3A, %swap3A_45, %swap3A_46], %select_n3A {strides = array<i32>} : memref<256x8x128xf32, #tpu.memory_space<vmem>>, vector<256x8x128xf32>,
    %get3A_48 = arith.constant 0 : index
    %get3A_49 = arith.constant 0 : index
    %get3A_50 = vector.load %arg0[%get3A_48, %get3A_49] : memref<800x1024xi32, #tpu.memory_space<vmem>>, vector<800x1024xi32>
    %convert_element_type3A = arith.sitofp %get3A_50 : vector<800x1024xi32> to vector<800x1024xf32>
    %iota3A_51 = tpu.iota {dimensions = array<i32: 0>} : vector<1024x128xi32>
    %iota3A_52 = tpu.iota {dimensions = array<i32: 1>} : vector<1024x128xi32>
    %shift_right_arithmetic3A_53 = arith.constant 3 : i32
    %shift_right_arithmetic3A_54 = vector.broadcast %shift_right_arithmetic3A_53 : i32 to vector<1024x128xi32>
    %shift_right_arithmetic3A_55 = arith.shrsi %iota3A_51, %shift_right_arithmetic3A_54 : vector<1024x128xi32>
    %eq3A_56 = arith.cmpi eq, %shift_right_arithmetic3A_55, %iota3A_52 : vector<1024x128xi32>
    %and3A_57 = arith.constant 7 : i32
    %and3A_58 = vector.broadcast %and3A_57 : i32 to vector<1024x128xi32>
    %and3A_59 = arith.andi %iota3A_51, %and3A_58 : vector<1024x128xi32>
    %shift_left3A = arith.constant 1 : i32
    %shift_left3A_60 = vector.broadcast %shift_left3A : i32 to vector<1024x128xi32>
    %shift_left3A_61 = arith.shli %shift_left3A_60, %and3A_59 : vector<1024x128xi32>
    %jit3A = arith.constant 0 : i32
    %broadcast_in_dim3A_62 = vector.broadcast %jit3A : i32 to vector<1024x128xi32>
    %select_n3A_63 = arith.select %eq3A_56, %shift_left3A_61, %broadcast_in_dim3A_62 : vector<1024x128xi1>, vector<1024x128xi32>
    %convert_element_type3A_64 = arith.sitofp %select_n3A_63 : vector<1024x128xi32> to vector<1024x128xf32>
    %dot_general3A = arith.constant dense<0.000000e+00> : vector<800x128xf32>
    %dot_general3A_65 = tpu.matmul %convert_element_type3A, %convert_element_type3A_64, %dot_general3A {dimension_numbers = #tpu.dot_dimension_numbers<[1], [0], [0], [1], [0, 0, 1, 1], [], []>, transpose_lhs_hint = false} : vector<800x1024xf32>, vector<1024x128xf32>, vector<800x128xf32> -> vector<800x128xf32>
    %convert_element_type3A_66 = arith.fptosi %dot_general3A_65 : vector<800x128xf32> to vector<800x128xi32>
    %swap3A_67 = arith.constant 0 : index
    %swap3A_68 = arith.constant 0 : index
    %swap3A_69 = vector.load %arg5[%swap3A_67, %swap3A_68] : memref<800x128xi32, #tpu.memory_space<vmem>>, vector<800x128xi32>
    tpu.vector_store %arg5[%swap3A_67, %swap3A_68], %convert_element_type3A_66 {strides = array<i32>} : memref<800x128xi32, #tpu.memory_space<vmem>>, vector<800x128xi32>,
    return
  }
}

</mosaic_0001>

<sc_bundles>
// kernel: kernel.4.cloned.1.call-start
scs
__scs_entry_jumppad:
0x0: {  	(pc) =	sbr.rel $0x88, $3  }
0x1: {  	(tag) =	ssettag $0x0;
	lr =	simm.s32 $0x1  }
0x2: {  	[smem:$0x3F9D] =	sst lr;
	_ =	strace $0xD0000000  }
0x3: {  	_ = 	snop  }
0x4: {  	_ = 	snop  }
0x5: {  	_ = 	snop  }
0x6: {  	_ = 	snop  }
0x7: {  	_ = 	snop  }
__scs_overlays_trampoline_lowered:
0x8: {  	[smem:$0x3FAC] =	sst s0  }
0x9: {  	[smem:$0x3FAD] =	sst s1  }
0xa: {  	[smem:$0x3FAE] =	sst s2  }
0xb: {  	[smem:$0x3FAF] =	sst s3  }
0xc: {  	[smem:$0x3FB0] =	sst s4  }
0xd: {  	[smem:$0x3FB1] =	sst s5  }
0xe: {  	[smem:$0x3FB2] =	sst s6  }
0xf: {  	[smem:$0x3FB3] =	sst s7  }
0x10: {  	[smem:$0x3FB4] =	sst s8  }
0x11: {  	[smem:$0x3FB5] =	sst s9;
	s0 =	simm.s32 @!p0 $0x0  }
0x12: {  	s1 =	sld [smem:$0x3F9B];
	s0 =	simm.s32 @p0 $0x1  }
0x13: {  	[smem:$0x3FB6] =	sst s0;
	s0 =	simm.s32 @!p1 $0x0  }
0x14: {  	s2 =	sld [smem:$0x3F9A];
	s0 =	simm.s32 @p1 $0x1  }
0x15: {  	[smem:$0x3FB7] =	sst s0;
	s0 =	simm.s32 @!p2 $0x0  }
0x16: {  	s3 =	sld [smem:$0x3FDB];
	s0 =	simm.s32 @p2 $0x1  }
0x17: {  	s4 =	simm.s32 $0x1BF5;
	[smem:$0x3FB9] =	sst s0  }
0x18: {  	s0 =	sld [smem:$0x3F9C];
	_ =	swait.ge [sflag:s4], $0x0  }
0x19: {  	s7 =	sld [smem:$0x3F9D]  }
0x1a: {  	s8 =	sadd.s32 $0xFFFFE003, lr  }
0x1b: {  	s9 =	sadd.s32 $0xFFFFFEF7, lr;
	s5 =	simm.s32 $0xFFFFFFFF;
	p2 =	slt.u32 s8, $0xFFFFF086  }
0x1c: {  	p1 =	slt.u32 s9, $0xF7A;
	s5 =	simm.s32 @!p2 $0x0  }
0x1d: {  	s5 =	simm.s32 @p1 $0x1;
	p0 =	seq.s32 s7, s2  }
0x1e: {  	s7 =	smul.u32 @!p0 $0xF7A, s2;
	p2 =	seq.s32 @!p0 s5, $0x0  }
0x1f: {  	s9 =	smul.u32 $0xF7A, s1;
	s8 =	simm.s32 @!p0 $0x1BF5;
	p2 =	por !p2, p0  }
0x20: {  	[sflag:s8] =	ssyncset.s32 @!p0 $0xFFFFF086;
	s6 =	sadd.s32 @!p0 s3, s7;
	s7 =	simm.s32 @!p0 $0x108  }
0x21: {  	s3 =	sadd.s32 s3, s9;
	s6 =	sadd.s32 @!p0 $0x88, s6;
	s7 =	simm.s32 @p2 $0x1082  }
0x22: {  	[simem:s7], [sflag:s8] =	dma.local @!p0 [hbm:s6], $0xF7A  }
0x23: {  	s9 =	sor.u32 $0xD0000000, s2;
	s6 =	simm.s32 $0x108;
	_ =	swait.ge @!p0 [sflag:s8], $0x0  }
0x24: {  	s3 =	sadd.s32 $0x88, s3;
	s6 =	simm.s32 @!p1 $0x1082;
	[sflag:s4] =	ssyncset.s32 $0xFFFFF086  }
0x25: {  	[simem:s6], [sflag:s4] =	dma.local [hbm:s3], $0xF7A  }
0x26: {  	[smem:$0x3F9D] =	sst s1;
	(tag) =	ssettag s2;
	_ =	strace s9  }
0x27: {  	s1 =	sld [smem:$0x3FAD]  }
0x28: {  	s2 =	sld [smem:$0x3FAE]  }
0x29: {  	s4 =	sld [smem:$0x3FB0]  }
0x2a: {  	p0 =	seq.s32 s5, $0x0;
	s5 =	sld [smem:$0x3FB1]  }
0x2b: {  	s6 =	sld [smem:$0x3FB2]  }
0x2c: {  	s7 =	sld [smem:$0x3FB3]  }
0x2d: {  	s3 =	simm.s32 $0x108;
	s8 =	sld [smem:$0x3FB4]  }
0x2e: {  	s3 =	simm.s32 @!p0 $0x1082;
	s9 =	sld [smem:$0x3FB5]  }
0x2f: {  	lr =	sadd.s32 s0, s3;
	s0 =	sld [smem:$0x3FAC]  }
0x30: {  	s3 =	sld [smem:$0x3FAF]  }
0x31: {  	[smem:$0x3FB8] =	sst s10  }
0x32: {  	s10 =	sld [smem:$0x3FB6];
	_ =	sdelay $0x3  }
0x33: {  	p0 =	seq.s32 s10, $0x1;
	s10 =	sld [smem:$0x3FB8];
	_ =	sdelay $0x3  }
0x34: {  	[smem:$0x3FB8] =	sst s10  }
0x35: {  	s10 =	sld [smem:$0x3FB7];
	_ =	sdelay $0x3  }
0x36: {  	p1 =	seq.s32 s10, $0x1;
	s10 =	sld [smem:$0x3FB8];
	_ =	sdelay $0x3  }
0x37: {  	[smem:$0x3FB8] =	sst s10  }
0x38: {  	s10 =	sld [smem:$0x3FB9]  }
0x39: {  	_ = 	snop;
	(pc) =	sbr.ind lr, $3  }
0x3a: {  	_ = 	snop  }
0x3b: {  	_ = 	snop  }
0x3c: {  	p2 =	seq.s32 s10, $0x1;
	s10 =	sld [smem:$0x3FB8]  }
0x3d: {  	_ =	shalt  }
0x3e: {  	_ =	shalt  }
0x3f: {  	_ =	shalt  }
0x40: {  	_ =	shalt  }
0x41: {  	_ =	shalt  }
0x42: {  	_ =	shalt  }
0x43: {  	_ =	shalt  }
0x44: {  	_ =	shalt  }
0x45: {  	_ =	shalt  }
0x46: {  	_ =	shalt  }
0x47: {  	_ =	shalt  }
0x48: {  	_ =	shalt  }
0x49: {  	_ =	shalt  }
0x4a: {  	_ =	shalt  }
0x4b: {  	_ =	shalt  }
0x4c: {  	_ =	shalt  }
0x4d: {  	_ =	shalt  }
0x4e: {  	_ =	shalt  }
0x4f: {  	_ =	shalt  }
0x50: {  	_ =	shalt  }
0x51: {  	_ =	shalt  }
0x52: {  	_ =	shalt  }
0x53: {  	_ =	shalt  }
0x54: {  	_ =	shalt  }
0x55: {  	_ =	shalt  }
0x56: {  	_ =	shalt  }
0x57: {  	_ =	shalt  }
0x58: {  	_ =	shalt  }
0x59: {  	_ =	shalt  }
0x5a: {  	_ =	shalt  }
0x5b: {  	_ =	shalt  }
0x5c: {  	_ =	shalt  }
0x5d: {  	_ =	shalt  }
0x5e: {  	_ =	shalt  }
0x5f: {  	_ =	shalt  }
0x60: {  	_ =	shalt  }
0x61: {  	_ =	shalt  }
0x62: {  	_ =	shalt  }
0x63: {  	_ =	shalt  }
0x64: {  	_ =	shalt  }
0x65: {  	_ =	shalt  }
0x66: {  	_ =	shalt  }
0x67: {  	_ =	shalt  }
0x68: {  	_ =	shalt  }
0x69: {  	_ =	shalt  }
0x6a: {  	_ =	shalt  }
0x6b: {  	_ =	shalt  }
0x6c: {  	_ =	shalt  }
0x6d: {  	_ =	shalt  }
0x6e: {  	_ =	shalt  }
0x6f: {  	_ =	shalt  }
0x70: {  	_ =	shalt  }
0x71: {  	_ =	shalt  }
0x72: {  	_ =	shalt  }
0x73: {  	_ =	shalt  }
0x74: {  	_ =	shalt  }
0x75: {  	_ =	shalt  }
0x76: {  	_ =	shalt  }
0x77: {  	_ =	shalt  }
0x78: {  	_ =	shalt  }
0x79: {  	_ =	shalt  }
0x7a: {  	_ =	shalt  }
0x7b: {  	_ =	shalt  }
0x7c: {  	_ =	shalt  }
0x7d: {  	_ =	shalt  }
0x7e: {  	_ =	shalt  }
0x7f: {  	_ =	shalt  }
0x80: {  	_ =	shalt  }
0x81: {  	_ =	shalt  }
0x82: {  	_ =	shalt  }
0x83: {  	_ =	shalt  }
0x84: {  	_ =	shalt  }
0x85: {  	_ =	shalt  }
0x86: {  	_ =	shalt  }
0x87: {  	_ =	shalt  }
.Lfunc_end0:
.L_simem_size_0:
called_computation.1_lowered:
.L_overlay_start_0:
0x88: {  	s2 =	sld [smem:$0x3FD9]  }
0x89: {  	s3 =	sld [smem:$0x3FFE];
	_ =	sdelay $0x1  }
0x8a: {  	s1 =	srdreg.scid  }
0x8b: {  	s0 =	sand.u32 $0x1, s1  }
0x8c: {  	s17 =	sshll.u32 s0, $0xA;
	s2 =	sadd.s32 s3, s2  }
0x8d: {  	s2 =	sadd.s32 s2, s17  }
0x8e: {  	[smem:$0x3FC4] =	sst s2  }
0x8f: {  	_ = 	snop  }
0x90: {  	s2 =	sld [smem:$0x3FD0];
	(tm) =	ssettm $0x1  }
0x91: {  	s18 =	sld [smem:$0x3FFB];
	_ =	sdelay $0x3  }
0x92: {  	_ =	strace s18  }
0x93: {  	s3 =	sld [smem:$0x3FFC];
	_ =	sdelay $0x3  }
0x94: {  	_ =	strace s3  }
0x95: {  	s3 =	sld [smem:$0x3FFD];
	_ =	sdelay $0x3  }
0x96: {  	_ =	strace s3  }
0x97: {  	_ =	strace $0x8FFFFFFF  }
0x98: {  	s19 =	sld [smem:$0x3FDB];
	_ =	sdelay $0x1  }
0x99: {  	s4 =	simm.s32 $_scs_section_size  }
0x9a: {  	s5 =	simm.s32 $_size__tile_overlayer_lowered;
	s6 =	simm.s32 $_tile_overlayer_lowered  }
0x9b: {  	s22 =	simm.s32 $0x1BFF;
	s21 =	sshll.u32 s6, $0x1;
	s3 =	sadd.s32 s4, s19  }
0x9c: {  	s7 =	simm.s32 $0x0;
	s20 =	sshll.u32 s5, $0x1;
	s5 =	sadd.s32 s21, s3  }
0x9d: {  	[timem:s7], [sflag:s22] =	dma.local [hbm:s5], s20  }
0x9e: {  	_ =	swait.ge [sflag:s22], s20  }
0x9f: {  	s4 =	ssub.s32 $0x0, s20;
	[sflag:s22] =	ssyncset.done $0x0  }
0xa0: {  	[sflag:s22] =	ssyncadd.s32 s4;
	_ =	sdelay $0x1  }
0xa1: {  	s23 =	simm.s32 $0x1B8B  }
0xa2: {  	_ =	swait.ge [sflag:s23], $0x1  }
0xa3: {  	[sflag:s23] =	ssyncset.done $0x0  }
0xa4: {  	s25 =	simm.s32 $0x1B8E;
	s24 =	sld [smem:$0x3FFE];
	[sflag:s23] =	ssyncadd.s32 $0xFFFFFFFF  }
0xa5: {  	s26 =	simm.s32 $execute0_lowered;
	[smem:$0x3FD2] =	sst s25  }
0xa6: {  	s5 =	sshll.u32 s26, $0x1;
	_ =	strace $0x80000046;
	[dreg:$0x1] =	wrdreg $0xFFFFFFFF  }
0xa7: {  	s28 =	simm.s32 $_size_execute0_lowered;
	s3 =	sadd.s32 s3, s5;
	[dreg:$0x0] =	wrdreg $0x0  }
0xa8: {  	s5 =	sshll.u32 s28, $0x1;
	[dreg:$0x2] =	wrdreg s3  }
0xa9: {  	[dreg:$0x3] =	wrdreg s5  }
0xaa: {  	[dreg:$0x4] =	wrdreg $0xC0  }
0xab: {  	_ =	task [dreg:s7], $0x5FFFF  }
0xac: {  	[dreg:$0x1] =	wrdreg $0xFFFFFFFF  }
0xad: {  	[dreg:$0x0] =	wrdreg $0x60  }
0xae: {  	[dreg:$0x2] =	wrdreg s2  }
0xaf: {  	[dreg:$0x3] =	wrdreg s24  }
0xb0: {  	[dreg:$0x4] =	wrdreg $0x1A2800  }
0xb1: {  	[dreg:$0x5] =	wrdreg $0x9  }
0xb2: {  	_ =	task.clear_ibuf [dreg:s7], $0x6FFFF;
	_ =	strace $0x90000046  }
0xb3: {  	s29 =	simm.s32 $0x9;
	_ =	strace $0x80000048  }
0xb4: {  	_ =	swait.ge [sflag:s29], $0x1  }
0xb5: {  	[sflag:s29] =	ssyncadd.s32 $0xFFFFFFFF  }
0xb6: {  	_ =	strace $0x90000048  }
0xb7: {  	_ =	sfence  }
0xb8: {  	s30 =	sld [smem:$0x0];
	_ =	sdelay $0x2  }
0xb9: {  	s31 =	sshll.u32 s1, $0xD;
	s1 =	sshrl.u32 s1, $0x2  }
0xba: {  	s3 =	sand.u32 $0x4000, s31;
	s1 =	sadd.s32 s1, s30  }
0xbb: {  	s0 =	sor.u32 s3, s0;
	s1 =	sshll.u32 s1, $0x11  }
0xbc: {  	s0 =	sor.u32 s1, s0  }
0xbd: {  	s0 =	sadd.s32 $0x8F2B, s0  }
0xbe: {  	[sflag:s0] =	ssyncadd.remote.s32 $0x1  }
0xbf: {  	_ =	sfence.sel $0xFFFF  }
0xc0: {  	[dreg:$0x0] =	wrdreg $0xFFFFFFFF;
	(pc) =	sbr.abs _section_cstart, $3  }
0xc1: {  	[dreg:$0x1] =	wrdreg $0xFFFFFFFF  }
0xc2: {  	_ =	task.clear_ibuf [dreg:s7], $0x2FFFF;
	_ =	strace $0x9FFFFFFF  }
0xc3: {  	(tm) =	ssettm $0x7FFFFFFF  }
tec
execute0_lowered:
.L_overlay_start_1:
0x0: {  	(tag) =	ssettag $0x1  }
0x1: {  	s0 =	rddreg [dreg:$0x0]  }
0x2: {  	s1 =	rddreg [dreg:$0x1];
	s3 =	srdreg.scid  }
0x3: {  	s11 =	stileid.u32;
	s2 =	rddreg [dreg:$0x2];
	s15 =	simm.s32 $0x1280  }
0x4: {  	s16 =	simm.s32 $0x9;
	s17 =	simm.s32 $0x19;
	s19 =	simm.s32 $0x1  }
0x5: {  	s28 =	simm.s32 $0x2;
	s29 =	simm.s32 $0x5;
	s30 =	simm.s32 $0x3  }
0x6: {  	s31 =	simm.s32 $0x6;
	s18 =	simm.s32 $0x8;
	s4 =	sand.u32 $0x1, s3  }
0x7: {  	s5 =	sshll.u32 s11, $0x1;
	s3 =	simm.s32 $0x0;
	s9 =	sadd.s32 $0x1400, s1  }
0x8: {  	s1 =	sadd.s32 $0x4600, s1;
	s10 =	smul.u32 $0x1900, s11;
	s21 =	sshll.u32 s11, $0xB  }
0x9: {  	s11 =	sshll.u32 s11, $0xE;
	s5 =	sor.u32 s4, s5;
	[smem:$0x7FF] =	sst s3  }
0xa: {  	s7 =	ssub.s32 $0x2, s4;
	s4 =	smul.u32 $0xC80, s4;
	s0 =	sadd.s32 s0, s21  }
0xb: {  	s22 =	sadd.s32 s11, s2;
	s21 =	simm.s32 $0x1100;
	s6 =	smul.u32 $0x19, s5  }
0xc: {  	_ =	strace $0x80000047;
	s8 =	smul.u32 $0x64000, s5;
	[dreg:$0x4] =	wrdreg s9  }
0xd: {  	s20 =	sshrl.u32 s7, $0x1;
	s5 =	smul.u32 $0x320000, s5;
	[dreg:$0x5] =	wrdreg s0  }
0xe: {  	[dreg:$0x6] =	wrdreg s22;
	s22 =	simm.s32 $0x7680;
	s0 =	simm.s32 $0x7  }
0xf: {  	s9 =	ssub.s32 s7, s20;
	s4 =	sadd.s32 s4, s10;
	s20 =	simm.s32 $0x1080  }
0x10: {  	s23 =	sadd.s32 $0x10, s6;
	s24 =	sadd.s32 s1, s8;
	s5 =	sshrl.u32 s5, $0x3  }
0x11: {  	s4 =	sshll.u32 s4, $0x7;
	s26 =	smax.u32 s9, $0x1;
	[dreg:$0x7] =	wrdreg s24  }
0x12: {  	v0 =	vlaneseq.u32;
	s7 =	sadd.s32 $0xC80, s24;
	s5 =	sadd.s32 s1, s5;
	s1 =	sadd.s32 s4, s1  }
0x13: {  	[dreg:$0xb] =	wrdreg s26;
	v2 =	vadd.s32 s23, v0;
	s23 =	simm.s32 $0x1180;
	s24 =	simm.s32 $0xDA80  }
0x14: {  	v3 =	vor.u32 $0x10, v0;
	v4 =	vadd.s32 $0x19, v0;
	s26 =	simm.s32 $0x13E80;
	s4 =	simm.s32 $0x0;
	[dreg:$0x8] =	wrdreg s7  }
0x15: {  	v5 =	vadd.s32 $0x29, v0;
	v6 =	vadd.s32 $0x32, v0;
	v7 =	vadd.s32 $0x42, v0;
	s25 =	sadd.s32 $0x62700, s5;
	s5 =	sadd.s32 $0x63380, s5;
	s12 =	sadd.s32 $0x2580, s1  }
0x16: {  	v8 =	vadd.s32 $0x4B, v0;
	v1 =	vadd.s32 s6, v0;
	s13 =	sadd.s32 $0x1900, s1;
	s14 =	sadd.s32 $0x3200, s1;
	vm0 =	vlt.s32 v2, $0x31F;
	[dreg:$0x9] =	wrdreg s25  }
0x17: {  	v9 =	vadd.s32 $0x5B, v0;
	v1 =	vmin.u32 v1, $0x31F;
	s1 =	simm.s32 $0x4;
	[dreg:$0xa] =	wrdreg s5;
	s25 =	simm.s32 $0x1200;
	v2 =	vnsel vm0, $0x31F, v2  }
.LBB2_1:
0x18: {  	s5 =	rddreg [dreg:$0x5]  }
0x19: {  	[tilespmem:s15], [sflag:$0x9] =	stream.linear.gather [hbm4b:s5+s3], $0x4000, $0x38;
	[tilespmem:$0x1E280] =	vst v63  }
0x1a: {  	_ =	swait.ge [sflag:s16], $0x4000  }
0x1b: {  	[sflag:s16] =	ssyncset.done $0x0  }
0x1c: {  	s10 =	rddreg [dreg:$0x6];
	[sflag:s16] =	ssyncadd.s32 $0xFFFFC000  }
0x1d: {  	[spmem:s10] =	stream.linear.scatter [tilespmem:s15], [sflag:$0x9], $0x4000, $0x38;
	[tilespmem:$0x1E280] =	vst v63  }
0x1e: {  	_ =	swait.ge [sflag:s16], $0x4000  }
0x1f: {  	[sflag:s16] =	ssyncset.done $0x0  }
0x20: {  	[sflag:s16] =	ssyncadd.s32 $0xFFFFC000  }
0x21: {  	[bflag:$0x0] =	sbarrier.arrive $0xFFFF  }
0x22: {  	[tilespmem:$0x1000] =	vst v1  }
0x23: {  	s6 =	simm.s32 $0x1000;
	[tilespmem:$0x1010] =	vst v2;
	s11 =	rddreg [dreg:$0x4]  }
0x24: {  	[tilespmem:s3], [sflag:$0x1] =	stream.indirect.gather [hbm4b:s11+s17], $0x80, s6, s17, $0xb8;
	[tilespmem:$0x1E280] =	vst v63  }
0x25: {  	_ =	swait.ge [sflag:s19], $0xC80  }
0x26: {  	[sflag:s19] =	ssyncset.done $0x0  }
0x27: {  	[sflag:s19] =	ssyncadd.s32 $0xFFFFF380  }
0x28: {  	v10 =	vld.idx.msk [tilespmem:v0+s3+$0x0], $0xffff;
	_ =	sdelay $0x4  }
0x29: {  	[tilespmem:$0x1080] =	vst v10  }
0x2a: {  	v10 =	vld.idx.msk [tilespmem:v3+s3+$0x0], $0xffff;
	_ =	sdelay $0x4  }
0x2b: {  	[tilespmem:$0x1090] =	vst v10  }
0x2c: {  	[tilespmem:s15], [sflag:$0x1] =	stream.indirect.gather [spmem:s2], $0x400, s20, s17, $0xb8;
	[tilespmem:$0x1E280] =	vst v63  }
0x2d: {  	v10 =	vld.idx.msk [tilespmem:v4+s3+$0x0], $0xffff;
	_ =	sdelay $0x4  }
0x2e: {  	[tilespmem:$0x1100] =	vst v10  }
0x2f: {  	v10 =	vld.idx.msk [tilespmem:v5+s3+$0x0], $0xffff;
	_ =	sdelay $0x4  }
0x30: {  	[tilespmem:$0x1110] =	vst v10  }
0x31: {  	[tilespmem:s22], [sflag:$0x2] =	stream.indirect.gather [spmem:s2], $0x400, s21, s17, $0xb8;
	[tilespmem:$0x1E280] =	vst v63  }
0x32: {  	v10 =	vld.idx.msk [tilespmem:v6+s3+$0x0], $0xffff;
	_ =	sdelay $0x4  }
0x33: {  	[tilespmem:$0x1180] =	vst v10  }
0x34: {  	v10 =	vld.idx.msk [tilespmem:v7+s3+$0x0], $0xffff;
	_ =	sdelay $0x4  }
0x35: {  	[tilespmem:$0x1190] =	vst v10  }
0x36: {  	[tilespmem:s24], [sflag:$0x3] =	stream.indirect.gather [spmem:s2], $0x400, s23, s17, $0xb8;
	[tilespmem:$0x1E280] =	vst v63  }
0x37: {  	_ =	swait.ge [sflag:s19], $0x6400  }
0x38: {  	[sflag:s19] =	ssyncset.done $0x0  }
0x39: {  	s7 =	rddreg [dreg:$0x7];
	[sflag:s19] =	ssyncadd.s32 $0xFFFF9C00  }
0x3a: {  	[hbm4b:s7+s3] =	stream.linear.scatter [tilespmem:s15], [sflag:$0x5], $0x6400, $0x38;
	[tilespmem:$0x1E280] =	vst v63  }
0x3b: {  	v10 =	vld.idx.msk [tilespmem:v8+s3+$0x0], $0xffff;
	_ =	sdelay $0x4  }
0x3c: {  	[tilespmem:$0x1200] =	vst v10  }
0x3d: {  	v10 =	vld.idx.msk [tilespmem:v9+s3+$0x0], $0xffff;
	_ =	sdelay $0x4  }
0x3e: {  	s8 =	simm.s32 $0x64;
	[tilespmem:$0x1210] =	vst v10  }
0x3f: {  	[tilespmem:s26], [sflag:$0x4] =	stream.indirect.gather [spmem:s2], $0x400, s25, s17, $0xb8;
	[tilespmem:$0x1E280] =	vst v63  }
0x40: {  	v10 =	vadd.s32 s8, v0;
	_ =	swait.ge [sflag:s28], $0x6400  }
0x41: {  	vm0 =	vlt.s32 v10, $0xC7F;
	[sflag:s28] =	ssyncset.done $0x0  }
0x42: {  	v10 =	vnsel vm0, $0xC7F, v10;
	s9 =	rddreg [dreg:$0x8];
	[sflag:s28] =	ssyncadd.s32 $0xFFFF9C00  }
0x43: {  	[hbm4b:s9+s3] =	stream.linear.scatter [tilespmem:s22], [sflag:$0x6], $0x6400, $0x38;
	[tilespmem:$0x1E280] =	vst v63  }
0x44: {  	_ =	swait.ge [sflag:s29], $0x6400  }
0x45: {  	s10 =	simm.s32 $0x74;
	[sflag:s29] =	ssyncset.done $0x0  }
0x46: {  	v11 =	vadd.s32 s10, v0;
	[sflag:s29] =	ssyncadd.s32 $0xFFFF9C00  }
0x47: {  	vm8 =	vlt.s32 v11, $0xC7F;
	v10 =	vld.idx.msk [tilespmem:v10+s3+$0x0], $0xffff  }
0x48: {  	v11 =	vnsel vm8, $0xC7F, v11;
	_ =	sdelay $0x3  }
0x49: {  	[tilespmem:$0x1080] =	vst v10  }
0x4a: {  	v10 =	vld.idx.msk [tilespmem:v11+s3+$0x0], $0xffff;
	_ =	sdelay $0x4  }
0x4b: {  	s11 =	simm.s32 $0x7D;
	[tilespmem:$0x1090] =	vst v10  }
0x4c: {  	[tilespmem:s15], [sflag:$0x1] =	stream.indirect.gather [spmem:s2], $0x400, s20, s17, $0xb8;
	[tilespmem:$0x1E280] =	vst v63  }
0x4d: {  	v10 =	vadd.s32 s11, v0;
	_ =	swait.ge [sflag:s30], $0x6400  }
0x4e: {  	vm9 =	vlt.s32 v10, $0xC7F;
	[sflag:s30] =	ssyncset.done $0x0  }
0x4f: {  	v10 =	vnsel vm9, $0xC7F, v10;
	[sflag:s30] =	ssyncadd.s32 $0xFFFF9C00  }
0x50: {  	[hbm4b:s13+s3] =	stream.linear.scatter [tilespmem:s24], [sflag:$0x7], $0x6400, $0x38;
	[tilespmem:$0x1E280] =	vst v63  }
0x51: {  	_ =	swait.ge [sflag:s31], $0x6400  }
0x52: {  	s6 =	simm.s32 $0x8D;
	[sflag:s31] =	ssyncset.done $0x0  }
0x53: {  	v11 =	vadd.s32 s6, v0;
	[sflag:s31] =	ssyncadd.s32 $0xFFFF9C00  }
0x54: {  	vm10 =	vlt.s32 v11, $0xC7F;
	v10 =	vld.idx.msk [tilespmem:v10+s3+$0x0], $0xffff  }
0x55: {  	v11 =	vnsel vm10, $0xC7F, v11;
	_ =	sdelay $0x3  }
0x56: {  	[tilespmem:$0x1100] =	vst v10  }
0x57: {  	v10 =	vld.idx.msk [tilespmem:v11+s3+$0x0], $0xffff;
	_ =	sdelay $0x4  }
0x58: {  	s7 =	simm.s32 $0x96;
	[tilespmem:$0x1110] =	vst v10  }
0x59: {  	[tilespmem:s22], [sflag:$0x2] =	stream.indirect.gather [spmem:s2], $0x400, s21, s17, $0xb8;
	[tilespmem:$0x1E280] =	vst v63  }
0x5a: {  	v10 =	vadd.s32 s7, v0;
	_ =	swait.ge [sflag:s1], $0x6400  }
0x5b: {  	vm11 =	vlt.s32 v10, $0xC7F;
	[sflag:s1] =	ssyncset.done $0x0  }
0x5c: {  	v10 =	vnsel vm11, $0xC7F, v10;
	[sflag:s1] =	ssyncadd.s32 $0xFFFF9C00  }
0x5d: {  	[hbm4b:s12+s3] =	stream.linear.scatter [tilespmem:s26], [sflag:$0x8], $0x6400, $0x38;
	[tilespmem:$0x1E280] =	vst v63  }
0x5e: {  	_ =	swait.ge [sflag:s0], $0x6400  }
0x5f: {  	s8 =	simm.s32 $0xA6;
	[sflag:s0] =	ssyncset.done $0x0  }
0x60: {  	v11 =	vadd.s32 s8, v0;
	[sflag:s0] =	ssyncadd.s32 $0xFFFF9C00  }
0x61: {  	vm12 =	vlt.s32 v11, $0xC7F;
	v10 =	vld.idx.msk [tilespmem:v10+s3+$0x0], $0xffff  }
0x62: {  	v11 =	vnsel vm12, $0xC7F, v11;
	_ =	sdelay $0x3  }
0x63: {  	[tilespmem:$0x1180] =	vst v10  }
0x64: {  	v10 =	vld.idx.msk [tilespmem:v11+s3+$0x0], $0xffff;
	_ =	sdelay $0x4  }
0x65: {  	s9 =	simm.s32 $0xAF;
	[tilespmem:$0x1190] =	vst v10  }
0x66: {  	[tilespmem:s24], [sflag:$0x3] =	stream.indirect.gather [spmem:s2], $0x400, s23, s17, $0xb8;
	[tilespmem:$0x1E280] =	vst v63  }
0x67: {  	v10 =	vadd.s32 s9, v0;
	_ =	swait.ge [sflag:s19], $0x6400  }
0x68: {  	vm13 =	vlt.s32 v10, $0xC7F;
	[sflag:s19] =	ssyncset.done $0x0  }
0x69: {  	v10 =	vnsel vm13, $0xC7F, v10;
	[sflag:s19] =	ssyncadd.s32 $0xFFFF9C00  }
0x6a: {  	[hbm4b:s14+s3] =	stream.linear.scatter [tilespmem:s15], [sflag:$0x5], $0x6400, $0x38;
	[tilespmem:$0x1E280] =	vst v63  }
0x6b: {  	_ =	swait.ge [sflag:s18], $0x6400  }
0x6c: {  	s10 =	simm.s32 $0xBF;
	[sflag:s18] =	ssyncset.done $0x0  }
0x6d: {  	v11 =	vadd.s32 s10, v0;
	[sflag:s18] =	ssyncadd.s32 $0xFFFF9C00  }
0x6e: {  	vm14 =	vlt.s32 v11, $0xC7F;
	v10 =	vld.idx.msk [tilespmem:v10+s3+$0x0], $0xffff  }
0x6f: {  	v11 =	vnsel vm14, $0xC7F, v11;
	_ =	sdelay $0x3  }
0x70: {  	[tilespmem:$0x1200] =	vst v10  }
0x71: {  	v10 =	vld.idx.msk [tilespmem:v11+s3+$0x0], $0xffff;
	_ =	sdelay $0x4  }
0x72: {  	s11 =	simm.s32 $0xC8;
	[tilespmem:$0x1210] =	vst v10  }
0x73: {  	[tilespmem:s26], [sflag:$0x4] =	stream.indirect.gather [spmem:s2], $0x400, s25, s17, $0xb8;
	[tilespmem:$0x1E280] =	vst v63  }
0x74: {  	s5 =	sadd.s32 $0x3200, s12;
	s6 =	simm.s32 $0x123;
	v10 =	vadd.s32 s11, v0;
	_ =	swait.ge [sflag:s28], $0x6400  }
0x75: {  	s8 =	sadd.s32 $0x3200, s14;
	s10 =	simm.s32 $0x187;
	vm15 =	vlt.s32 v10, $0xC7F;
	[sflag:s28] =	ssyncset.done $0x0  }
0x76: {  	s9 =	sadd.s32 $0x3200, s13;
	s11 =	sadd.s32 $0x1900, s12;
	v10 =	vnsel vm15, $0xC7F, v10;
	[sflag:s28] =	ssyncadd.s32 $0xFFFF9C00  }
.LBB2_2:
0x77: {  	[hbm4b:s11+s3] =	stream.linear.scatter [tilespmem:s22], [sflag:$0x6], $0x6400, $0x38;
	[tilespmem:$0x1E280] =	vst v63  }
0x78: {  	s11 =	smov.u32 s10  }
0x79: {  	p0 =	sne.s32 s10, $0xC77;
	s10 =	sadd.s32 $0x64, s10;
	_ =	swait.ge [sflag:s29], $0x6400  }
0x7a: {  	[sflag:s29] =	ssyncset.done $0x0  }
0x7b: {  	s7 =	sadd.s32 $0xFFFFFFB5, s6;
	[sflag:s29] =	ssyncadd.s32 $0xFFFF9C00  }
0x7c: {  	v11 =	vadd.s32 s7, v0;
	v10 =	vld.idx.msk [tilespmem:v10+s3+$0x0], $0xffff  }
0x7d: {  	vm0 =	vlt.s32 v11, $0xC7F  }
0x7e: {  	v11 =	vnsel vm0, $0xC7F, v11;
	_ =	sdelay $0x3  }
0x7f: {  	[tilespmem:$0x1080] =	vst v10  }
0x80: {  	v10 =	vld.idx.msk [tilespmem:v11+s3+$0x0], $0xffff;
	_ =	sdelay $0x5  }
0x81: {  	s7 =	sadd.s32 $0xFFFFFFBE, s6;
	[tilespmem:$0x1090] =	vst v10  }
0x82: {  	v10 =	vadd.s32 s7, v0;
	[tilespmem:s15], [sflag:$0x1] =	stream.indirect.gather [spmem:s2], $0x400, s20, s17, $0xb8;
	[tilespmem:$0x1E280] =	vst v63  }
0x83: {  	vm0 =	vlt.s32 v10, $0xC7F;
	_ =	swait.ge [sflag:s30], $0x6400  }
0x84: {  	v10 =	vnsel vm0, $0xC7F, v10;
	[sflag:s30] =	ssyncset.done $0x0  }
0x85: {  	[sflag:s30] =	ssyncadd.s32 $0xFFFF9C00  }
0x86: {  	[hbm4b:s9+s3] =	stream.linear.scatter [tilespmem:s24], [sflag:$0x7], $0x6400, $0x38;
	[tilespmem:$0x1E280] =	vst v63  }
0x87: {  	_ =	swait.ge [sflag:s31], $0x6400  }
0x88: {  	[sflag:s31] =	ssyncset.done $0x0  }
0x89: {  	s7 =	sadd.s32 $0xFFFFFFCE, s6;
	[sflag:s31] =	ssyncadd.s32 $0xFFFF9C00  }
0x8a: {  	v11 =	vadd.s32 s7, v0;
	v10 =	vld.idx.msk [tilespmem:v10+s3+$0x0], $0xffff  }
0x8b: {  	vm0 =	vlt.s32 v11, $0xC7F  }
0x8c: {  	v11 =	vnsel vm0, $0xC7F, v11;
	_ =	sdelay $0x3  }
0x8d: {  	[tilespmem:$0x1100] =	vst v10  }
0x8e: {  	v10 =	vld.idx.msk [tilespmem:v11+s3+$0x0], $0xffff;
	_ =	sdelay $0x5  }
0x8f: {  	s7 =	sadd.s32 $0xFFFFFFD7, s6;
	[tilespmem:$0x1110] =	vst v10  }
0x90: {  	v10 =	vadd.s32 s7, v0;
	[tilespmem:s22], [sflag:$0x2] =	stream.indirect.gather [spmem:s2], $0x400, s21, s17, $0xb8;
	[tilespmem:$0x1E280] =	vst v63  }
0x91: {  	vm0 =	vlt.s32 v10, $0xC7F;
	_ =	swait.ge [sflag:s1], $0x6400  }
0x92: {  	v10 =	vnsel vm0, $0xC7F, v10;
	[sflag:s1] =	ssyncset.done $0x0  }
0x93: {  	[sflag:s1] =	ssyncadd.s32 $0xFFFF9C00  }
0x94: {  	[hbm4b:s5+s3] =	stream.linear.scatter [tilespmem:s26], [sflag:$0x8], $0x6400, $0x38;
	[tilespmem:$0x1E280] =	vst v63  }
0x95: {  	_ =	swait.ge [sflag:s0], $0x6400  }
0x96: {  	[sflag:s0] =	ssyncset.done $0x0  }
0x97: {  	s7 =	sadd.s32 $0xFFFFFFE7, s6;
	[sflag:s0] =	ssyncadd.s32 $0xFFFF9C00  }
0x98: {  	v11 =	vadd.s32 s7, v0;
	v10 =	vld.idx.msk [tilespmem:v10+s3+$0x0], $0xffff  }
0x99: {  	vm0 =	vlt.s32 v11, $0xC7F  }
0x9a: {  	v11 =	vnsel vm0, $0xC7F, v11;
	_ =	sdelay $0x3  }
0x9b: {  	[tilespmem:$0x1180] =	vst v10  }
0x9c: {  	v10 =	vld.idx.msk [tilespmem:v11+s3+$0x0], $0xffff;
	_ =	sdelay $0x5  }
0x9d: {  	s7 =	sadd.s32 $0xFFFFFFF0, s6;
	[tilespmem:$0x1190] =	vst v10  }
0x9e: {  	v10 =	vadd.s32 s7, v0;
	[tilespmem:s24], [sflag:$0x3] =	stream.indirect.gather [spmem:s2], $0x400, s23, s17, $0xb8;
	[tilespmem:$0x1E280] =	vst v63  }
0x9f: {  	vm0 =	vlt.s32 v10, $0xC7F;
	_ =	swait.ge [sflag:s19], $0x6400  }
0xa0: {  	v10 =	vnsel vm0, $0xC7F, v10;
	[sflag:s19] =	ssyncset.done $0x0  }
0xa1: {  	[sflag:s19] =	ssyncadd.s32 $0xFFFF9C00  }
0xa2: {  	[hbm4b:s8+s3] =	stream.linear.scatter [tilespmem:s15], [sflag:$0x5], $0x6400, $0x38;
	[tilespmem:$0x1E280] =	vst v63  }
0xa3: {  	_ =	swait.ge [sflag:s18], $0x6400  }
0xa4: {  	[sflag:s18] =	ssyncset.done $0x0  }
0xa5: {  	[sflag:s18] =	ssyncadd.s32 $0xFFFF9C00  }
0xa6: {  	v11 =	vadd.s32 s6, v0;
	s6 =	smov.u32 s11;
	v10 =	vld.idx.msk [tilespmem:v10+s3+$0x0], $0xffff  }
0xa7: {  	vm0 =	vlt.s32 v11, $0xC7F  }
0xa8: {  	v11 =	vnsel vm0, $0xC7F, v11;
	_ =	sdelay $0x3  }
0xa9: {  	[tilespmem:$0x1200] =	vst v10  }
0xaa: {  	v10 =	vld.idx.msk [tilespmem:v11+s3+$0x0], $0xffff;
	_ =	sdelay $0x5  }
.Ltmp0:
0xab: {  	s7 =	sadd.s32 $0xFFFFFFA5, s6;
	[tilespmem:$0x1210] =	vst v10;
	(pc) =	sbr.rel @p0 .LBB2_2-.Ltmp0, $4  }
0xac: {  	[tilespmem:s26], [sflag:$0x4] =	stream.indirect.gather [spmem:s2], $0x400, s25, s17, $0xb8;
	[tilespmem:$0x1E280] =	vst v63  }
0xad: {  	v10 =	vadd.s32 s7, v0;
	_ =	swait.ge [sflag:s28], $0x6400  }
0xae: {  	s9 =	sadd.s32 $0x3200, s9;
	s8 =	sadd.s32 $0x3200, s8;
	vm0 =	vlt.s32 v10, $0xC7F;
	[sflag:s28] =	ssyncset.done $0x0  }
0xaf: {  	s11 =	sadd.s32 $0x1900, s5;
	s5 =	sadd.s32 $0x3200, s5;
	v10 =	vnsel vm0, $0xC7F, v10;
	[sflag:s28] =	ssyncadd.s32 $0xFFFF9C00  }
0xb0: {  	[hbm4b:s11+s3] =	stream.linear.scatter [tilespmem:s22], [sflag:$0x6], $0x6400, $0x38;
	[tilespmem:$0x1E280] =	vst v63  }
0xb1: {  	_ =	swait.ge [sflag:s29], $0x6400  }
0xb2: {  	s7 =	sadd.s32 $0xFFFFFFB5, s6;
	[sflag:s29] =	ssyncset.done $0x0  }
0xb3: {  	v11 =	vadd.s32 s7, v0;
	[sflag:s29] =	ssyncadd.s32 $0xFFFF9C00  }
0xb4: {  	vm0 =	vlt.s32 v11, $0xC7F;
	v10 =	vld.idx.msk [tilespmem:v10+s3+$0x0], $0xffff  }
0xb5: {  	v11 =	vnsel vm0, $0xC7F, v11;
	_ =	sdelay $0x3  }
0xb6: {  	[tilespmem:$0x1080] =	vst v10  }
0xb7: {  	v10 =	vld.idx.msk [tilespmem:v11+s3+$0x0], $0xffff;
	_ =	sdelay $0x4  }
0xb8: {  	s10 =	sadd.s32 $0xFFFFFFBE, s6;
	[tilespmem:$0x1090] =	vst v10  }
0xb9: {  	[tilespmem:s15], [sflag:$0x1] =	stream.indirect.gather [spmem:s2], $0x400, s20, s17, $0xb8;
	[tilespmem:$0x1E280] =	vst v63  }
0xba: {  	v10 =	vadd.s32 s10, v0;
	_ =	swait.ge [sflag:s30], $0x6400  }
0xbb: {  	vm10 =	vlt.s32 v10, $0xC7F;
	[sflag:s30] =	ssyncset.done $0x0  }
0xbc: {  	v10 =	vnsel vm10, $0xC7F, v10;
	[sflag:s30] =	ssyncadd.s32 $0xFFFF9C00  }
0xbd: {  	[hbm4b:s9+s3] =	stream.linear.scatter [tilespmem:s24], [sflag:$0x7], $0x6400, $0x38;
	[tilespmem:$0x1E280] =	vst v63  }
0xbe: {  	_ =	swait.ge [sflag:s31], $0x6400  }
0xbf: {  	s11 =	sadd.s32 $0xFFFFFFCE, s6;
	[sflag:s31] =	ssyncset.done $0x0  }
0xc0: {  	v11 =	vadd.s32 s11, v0;
	[sflag:s31] =	ssyncadd.s32 $0xFFFF9C00  }
0xc1: {  	vm11 =	vlt.s32 v11, $0xC7F;
	v10 =	vld.idx.msk [tilespmem:v10+s3+$0x0], $0xffff  }
0xc2: {  	v11 =	vnsel vm11, $0xC7F, v11;
	_ =	sdelay $0x3  }
0xc3: {  	[tilespmem:$0x1100] =	vst v10  }
0xc4: {  	v10 =	vld.idx.msk [tilespmem:v11+s3+$0x0], $0xffff;
	_ =	sdelay $0x4  }
0xc5: {  	s9 =	sadd.s32 $0xFFFFFFD7, s6;
	[tilespmem:$0x1110] =	vst v10  }
0xc6: {  	[tilespmem:s22], [sflag:$0x2] =	stream.indirect.gather [spmem:s2], $0x400, s21, s17, $0xb8;
	[tilespmem:$0x1E280] =	vst v63  }
0xc7: {  	v10 =	vadd.s32 s9, v0;
	_ =	swait.ge [sflag:s1], $0x6400  }
0xc8: {  	vm12 =	vlt.s32 v10, $0xC7F;
	[sflag:s1] =	ssyncset.done $0x0  }
0xc9: {  	v10 =	vnsel vm12, $0xC7F, v10;
	[sflag:s1] =	ssyncadd.s32 $0xFFFF9C00  }
0xca: {  	[hbm4b:s5+s3] =	stream.linear.scatter [tilespmem:s26], [sflag:$0x8], $0x6400, $0x38;
	[tilespmem:$0x1E280] =	vst v63  }
0xcb: {  	_ =	swait.ge [sflag:s0], $0x6400  }
0xcc: {  	s10 =	sadd.s32 $0xFFFFFFE7, s6;
	[sflag:s0] =	ssyncset.done $0x0  }
0xcd: {  	v11 =	vadd.s32 s10, v0;
	[sflag:s0] =	ssyncadd.s32 $0xFFFF9C00  }
0xce: {  	vm13 =	vlt.s32 v11, $0xC7F;
	v10 =	vld.idx.msk [tilespmem:v10+s3+$0x0], $0xffff  }
0xcf: {  	v11 =	vnsel vm13, $0xC7F, v11;
	_ =	sdelay $0x3  }
0xd0: {  	[tilespmem:$0x1180] =	vst v10  }
0xd1: {  	v10 =	vld.idx.msk [tilespmem:v11+s3+$0x0], $0xffff;
	_ =	sdelay $0x4  }
0xd2: {  	s11 =	sadd.s32 $0xFFFFFFF0, s6;
	[tilespmem:$0x1190] =	vst v10  }
0xd3: {  	[tilespmem:s24], [sflag:$0x3] =	stream.indirect.gather [spmem:s2], $0x400, s23, s17, $0xb8;
	[tilespmem:$0x1E280] =	vst v63  }
0xd4: {  	v10 =	vadd.s32 s11, v0;
	_ =	swait.ge [sflag:s19], $0x6400  }
0xd5: {  	vm14 =	vlt.s32 v10, $0xC7F;
	[sflag:s19] =	ssyncset.done $0x0  }
0xd6: {  	v10 =	vnsel vm14, $0xC7F, v10;
	[sflag:s19] =	ssyncadd.s32 $0xFFFF9C00  }
0xd7: {  	[hbm4b:s8+s3] =	stream.linear.scatter [tilespmem:s15], [sflag:$0x5], $0x6400, $0x38;
	[tilespmem:$0x1E280] =	vst v63  }
0xd8: {  	_ =	swait.ge [sflag:s18], $0x6400  }
0xd9: {  	[sflag:s18] =	ssyncset.done $0x0  }
0xda: {  	v11 =	vadd.s32 s6, v0;
	[sflag:s18] =	ssyncadd.s32 $0xFFFF9C00  }
0xdb: {  	vm15 =	vlt.s32 v11, $0xC7F;
	v10 =	vld.idx.msk [tilespmem:v10+s3+$0x0], $0xffff  }
0xdc: {  	v11 =	vnsel vm15, $0xC7F, v11;
	_ =	sdelay $0x3  }
0xdd: {  	[tilespmem:$0x1200] =	vst v10  }
0xde: {  	v10 =	vld.idx.msk [tilespmem:v11+s3+$0x0], $0xffff;
	_ =	sdelay $0x4  }
0xdf: {  	[tilespmem:$0x1210] =	vst v10  }
0xe0: {  	[tilespmem:s26], [sflag:$0x4] =	stream.indirect.gather [spmem:s2], $0x400, s25, s17, $0xb8;
	[tilespmem:$0x1E280] =	vst v63  }
0xe1: {  	_ =	swait.ge [sflag:s28], $0x6400  }
0xe2: {  	[sflag:s28] =	ssyncset.done $0x0  }
0xe3: {  	s8 =	sadd.s32 $0x1900, s5;
	[sflag:s28] =	ssyncadd.s32 $0xFFFF9C00  }
0xe4: {  	[hbm4b:s8+s3] =	stream.linear.scatter [tilespmem:s22], [sflag:$0x6], $0x6400, $0x38;
	[tilespmem:$0x1E280] =	vst v63  }
0xe5: {  	_ =	swait.ge [sflag:s30], $0x6400  }
0xe6: {  	[sflag:s30] =	ssyncset.done $0x0  }
0xe7: {  	s9 =	rddreg [dreg:$0x9];
	[sflag:s30] =	ssyncadd.s32 $0xFFFF9C00  }
0xe8: {  	[hbm4b:s9+s3] =	stream.linear.scatter [tilespmem:s24], [sflag:$0x7], $0x6400, $0x38;
	[tilespmem:$0x1E280] =	vst v63  }
0xe9: {  	_ =	swait.ge [sflag:s1], $0x6400  }
0xea: {  	[sflag:s1] =	ssyncset.done $0x0  }
0xeb: {  	s10 =	rddreg [dreg:$0xa];
	[sflag:s1] =	ssyncadd.s32 $0xFFFF9C00  }
0xec: {  	[hbm4b:s10+s3] =	stream.linear.scatter [tilespmem:s26], [sflag:$0x8], $0x6400, $0x38;
	[tilespmem:$0x1E280] =	vst v63  }
0xed: {  	_ =	swait.ge [sflag:s29], $0x6400  }
0xee: {  	[sflag:s29] =	ssyncset.done $0x0  }
0xef: {  	[sflag:s29] =	ssyncadd.s32 $0xFFFF9C00  }
0xf0: {  	_ =	swait.ge [sflag:s31], $0x6400  }
0xf1: {  	[sflag:s31] =	ssyncset.done $0x0  }
0xf2: {  	[sflag:s31] =	ssyncadd.s32 $0xFFFF9C00  }
0xf3: {  	_ =	swait.ge [sflag:s0], $0x6400  }
0xf4: {  	[sflag:s0] =	ssyncset.done $0x0  }
0xf5: {  	[sflag:s0] =	ssyncadd.s32 $0xFFFF9C00  }
0xf6: {  	_ =	swait.ge [sflag:s18], $0x6400  }
0xf7: {  	s4 =	sadd.s32 $0x1, s4;
	s11 =	rddreg [dreg:$0xb]  }
0xf8: {  	p0 =	sne.s32 s4, s11  }
.Ltmp1:
0xf9: {  	_ = 	snop;
	(pc) =	sbr.rel @p0 .LBB2_1-.Ltmp1, $3  }
0xfa: {  	_ =	sdelay $0x1  }
0xfb: {  	[sflag:s18] =	ssyncset.done $0x0  }
0xfc: {  	[sflag:s18] =	ssyncadd.s32 $0xFFFF9C00  }
0xfd: {  	_ =	sfence.sel $0x180000  }
0xfe: {  	[bflag:$0x0] =	sbarrier.arrive $0xFFFF  }
0xff: {  	_ =	strace $0x90000047  }
0x100: {  	s0 =	stileid.u32;
	[bflag:$0x2] =	sbarrier.arrive $0xFFFF  }
0x101: {  	p0 =	sne.s32 s0, $0x0;
	s0 =	rddreg [dreg:$0x3]  }
0x102: {  	s0 =	sadd.s32 @!p0 $0x100000, s0  }
0x103: {  	[sflag:s0] =	ssyncadd.tile.s32 @!p0 $0x1;
	_ =	shalt  }
.Lfunc_end2:
_tile_overlayer_lowered:
.L_overlay_start_2:
0x104: {  	(tag) =	ssettag $0x2  }
0x105: {  	s0 =	rddreg [dreg:$0x0];
	s2 =	stileid.u32  }
0x106: {  	s1 =	rddreg [dreg:$0x1];
	p0 =	sne.s32 s2, $0x0  }
0x107: {  	s3 =	rddreg [dreg:$0x2];
	[bflag:$0x3] =	sbarrier.arrive $0xFFFF;
	s2 =	simm.s32 @!p0 $0x1C09  }
0x108: {  	[timem:s3], [sflag:s2] =	dma.local @!p0 [hbm:s0], s1  }
0x109: {  	s0 =	simm.s32 @!p0 $0x9  }
0x10a: {  	_ =	swait.ge @!p0 [sflag:s0], s1  }
0x10b: {  	s1 =	ssub.s32 @!p0 $0x0, s1;
	[sflag:s0] =	ssyncset.done @!p0 $0x0  }
0x10c: {  	[sflag:s0] =	ssyncadd.s32 @!p0 s1  }
0x10d: {  	[bflag:$0x3] =	sbarrier.arrive $0xFFFF  }
0x10e: {  	_ =	shalt  }

// kernel: sparse-core-data-format-call.cloned.1.call-start
scs
called_computation_lowered:
.L_overlay_start_0:
0x0: {  	s2 =	sld [smem:$0x3FD9]  }
0x1: {  	s3 =	sld [smem:$0x3FFE];
	_ =	sdelay $0x1  }
0x2: {  	s1 =	srdreg.scid  }
0x3: {  	s0 =	sand.u32 $0x1, s1  }
0x4: {  	s18 =	sshll.u32 s0, $0xA;
	s2 =	sadd.s32 s3, s2  }
0x5: {  	s2 =	sadd.s32 s2, s18  }
0x6: {  	[smem:$0x3FC4] =	sst s2  }
0x7: {  	_ = 	snop  }
0x8: {  	s2 =	sld [smem:$0x3FD0];
	(tm) =	ssettm $0x1  }
0x9: {  	s19 =	sld [smem:$0x3FFB];
	_ =	sdelay $0x3  }
0xa: {  	_ =	strace s19  }
0xb: {  	s3 =	sld [smem:$0x3FFC];
	_ =	sdelay $0x3  }
0xc: {  	_ =	strace s3  }
0xd: {  	s3 =	sld [smem:$0x3FFD];
	_ =	sdelay $0x3  }
0xe: {  	_ =	strace s3  }
0xf: {  	_ =	strace $0x8FFFFFFF  }
0x10: {  	s20 =	sld [smem:$0x3FDB];
	_ =	sdelay $0x1  }
0x11: {  	s4 =	simm.s32 $_scs_section_size  }
0x12: {  	s5 =	simm.s32 $_size__tile_overlayer_lowered;
	s6 =	simm.s32 $_tile_overlayer_lowered  }
0x13: {  	s23 =	simm.s32 $0x1BFF;
	s22 =	sshll.u32 s6, $0x1;
	s3 =	sadd.s32 s4, s20  }
0x14: {  	s7 =	simm.s32 $0x0;
	s21 =	sshll.u32 s5, $0x1;
	s5 =	sadd.s32 s22, s3  }
0x15: {  	[timem:s7], [sflag:s23] =	dma.local [hbm:s5], s21  }
0x16: {  	_ =	swait.ge [sflag:s23], s21  }
0x17: {  	s4 =	ssub.s32 $0x0, s21;
	[sflag:s23] =	ssyncset.done $0x0  }
0x18: {  	[sflag:s23] =	ssyncadd.s32 s4;
	_ =	sdelay $0x1  }
0x19: {  	s24 =	simm.s32 $0x1B8B  }
0x1a: {  	_ =	swait.ge [sflag:s24], $0x1  }
0x1b: {  	[sflag:s24] =	ssyncset.done $0x0  }
0x1c: {  	s26 =	simm.s32 $0x1B8E;
	s25 =	sld [smem:$0x3FFE];
	[sflag:s24] =	ssyncadd.s32 $0xFFFFFFFF  }
0x1d: {  	s27 =	simm.s32 $execute0_lowered;
	[smem:$0x3FD2] =	sst s26  }
0x1e: {  	s5 =	sshll.u32 s27, $0x1;
	_ =	strace $0x80000049;
	[dreg:$0x1] =	wrdreg $0xFFFFFFFF  }
0x1f: {  	s28 =	simm.s32 $_size_execute0_lowered;
	s3 =	sadd.s32 s3, s5;
	[dreg:$0x0] =	wrdreg $0x0  }
0x20: {  	s5 =	sshll.u32 s28, $0x1;
	[dreg:$0x2] =	wrdreg s3  }
0x21: {  	[dreg:$0x3] =	wrdreg s5  }
0x22: {  	[dreg:$0x4] =	wrdreg $0xC0  }
0x23: {  	_ =	task [dreg:s7], $0x5FFFF  }
0x24: {  	[dreg:$0x1] =	wrdreg $0xFFFFFFFF  }
0x25: {  	[dreg:$0x0] =	wrdreg $0x60  }
0x26: {  	[dreg:$0x2] =	wrdreg s25  }
0x27: {  	[dreg:$0x3] =	wrdreg s2  }
0x28: {  	[dreg:$0x4] =	wrdreg $0x9  }
0x29: {  	_ =	task.clear_ibuf [dreg:s7], $0x5FFFF;
	_ =	strace $0x90000049  }
0x2a: {  	s29 =	simm.s32 $0x9;
	_ =	strace $0x8000004B  }
0x2b: {  	_ =	swait.ge [sflag:s29], $0x1  }
0x2c: {  	[sflag:s29] =	ssyncadd.s32 $0xFFFFFFFF  }
0x2d: {  	_ =	strace $0x9000004B  }
0x2e: {  	_ =	sfence  }
0x2f: {  	s30 =	sld [smem:$0x0];
	_ =	sdelay $0x2  }
0x30: {  	s31 =	sshll.u32 s1, $0xD;
	s1 =	sshrl.u32 s1, $0x2  }
0x31: {  	s3 =	sand.u32 $0x4000, s31;
	s1 =	sadd.s32 s1, s30  }
0x32: {  	s0 =	sor.u32 s3, s0;
	s1 =	sshll.u32 s1, $0x11  }
0x33: {  	s0 =	sor.u32 s1, s0  }
0x34: {  	s0 =	sadd.s32 $0x8F2B, s0  }
0x35: {  	[sflag:s0] =	ssyncadd.remote.s32 $0x1  }
0x36: {  	_ =	sfence.sel $0xFFFF  }
0x37: {  	[dreg:$0x0] =	wrdreg $0xFFFFFFFF;
	(pc) =	sbr.abs _section_cstart, $3  }
0x38: {  	[dreg:$0x1] =	wrdreg $0xFFFFFFFF  }
0x39: {  	_ =	task.clear_ibuf [dreg:s7], $0x2FFFF;
	_ =	strace $0x9FFFFFFF  }
0x3a: {  	(tm) =	ssettm $0x7FFFFFFF  }
0x3b: {  	_ =	shalt  }
tec
execute0_lowered:
.L_overlay_start_1:
0x0: {  	(tag) =	ssettag $0x1  }
0x1: {  	s0 =	srdreg.scid  }
0x2: {  	s1 =	sshll.u32 s0, $0x4  }
0x3: {  	s6 =	rddreg [dreg:$0x0];
	s0 =	stileid.u32;
	s1 =	sand.u32 $0x10, s1  }
0x4: {  	s3 =	rddreg [dreg:$0x1];
	s1 =	sor.u32 s0, s1  }
0x5: {  	s5 =	simm.s32 $0x1;
	s31 =	simm.s32 $0x2;
	s2 =	sshll.u32 s1, $0x7  }
0x6: {  	s15 =	simm.s32 $0x0;
	s8 =	simm.s32 $0xC8000;
	s4 =	ssub.s32 $0x1000, s2  }
0x7: {  	s14 =	simm.s32 $0x0;
	s9 =	simm.s32 $0x0;
	s30 =	sand.u32 $0xF80, s4  }
0x8: {  	s10 =	simm.s32 $0x0;
	s11 =	simm.s32 $0x0;
	p0 =	sne.s32 s30, $0x0  }
.Ltmp0:
0x9: {  	s7 =	sshrl.u32 s4, $0xC;
	s5 =	simm.s32 @!p0 $0x0;
	(pc) =	sbr.rel .LBB1_1-.Ltmp0, $4  }
0xa: {  	s13 =	simm.s32 $0x0;
	s1 =	rddreg [dreg:$0x2];
	s5 =	sadd.s32 s5, s7  }
0xb: {  	_ =	strace $0x8000004A;
	s4 =	simm.s32 $0x1;
	s5 =	smul.u32 $0xC8, s5  }
0xc: {  	s6 =	sadd.s32 $0x4600, s6;
	s12 =	smov.u32 s2;
	[sflag:s4] =	ssyncpa.u1 $0x0  }
0xd: {  	[sflag:s31] =	ssyncpa.u1 $0x0;
	p0 =	por $0x0, $0x0;
	s7 =	sor.u32 $0x1, s5  }
.LBB1_4:
0xe: {  	s20 =	sshra.s32 s20, $0x2;
	s27 =	sshll.u32 s9, $0xC  }
0xf: {  	s21 =	sand.u32 $0x78, s10;
	s22 =	sshll.u32 s10, $0x3;
	s24 =	sshll.u32 s9, $0x7  }
0x10: {  	p1 =	sgt.s32 s9, $0xC7;
	s30 =	sshra.s32 s9, $0x1F;
	s25 =	sshra.s32 s10, $0x1F  }
0x11: {  	s19 =	sadd.s32 s20, s19;
	s20 =	sand.u32 $0xFFFF8000, s27;
	s23 =	sand.u32 $0xFFFFFC00, s22  }
0x12: {  	v5 =	vld [tilespmem:s17+$0xFFFFFFD0];
	[tilespmem:s18+$0x2040 ss:$0x81] =	vst.msk $0xffff, v4;
	s22 =	sand.u32 $0xC00, s22;
	s28 =	sand.u32 $0x380, s24;
	s31 =	sand.u32 s30, s9  }
0x13: {  	v58 =	vld [tilespmem:s17+$0xFFFFFFE0];
	[tilespmem:s18+$0x2850 ss:$0x81] =	vst.msk $0xffff, v3;
	s24 =	smov.u32 s10;
	s25 =	sand.u32 s25, s10;
	s20 =	sadd.s32 s23, s20  }
0x14: {  	v59 =	vld [tilespmem:s17+$0xFFFFFFF0];
	[tilespmem:s18+$0x3060 ss:$0x81] =	vst.msk $0xffff, v2;
	s21 =	sor.u32 s21, s22;
	s22 =	smov.u32 s9;
	s20 =	sshrl.u32 s20, $0xC  }
0x15: {  	v60 =	vld [tilespmem:s17+$0x0];
	[tilespmem:s18+$0x0 ss:$0x81] =	vst.msk $0xffff, v1;
	s22 =	simm.s32 @!p1 $0xC7;
	p1 =	sgt.s32 s10, $0xF80;
	s29 =	smulhi.u32 $0x147AE15, s20  }
0x16: {  	v61 =	vld [tilespmem:s17+$0x10];
	[tilespmem:s19+$0x3870 ss:$0x81] =	vst.msk $0xffff, v0;
	s21 =	sor.u32 s28, s21;
	s18 =	ssub.s32 s22, s31;
	s24 =	simm.s32 @!p1 $0xF80  }
0x17: {  	v62 =	vld [tilespmem:s17+$0x20];
	[tilespmem:s19+$0x810 ss:$0x81] =	vst.msk $0xffff, v5;
	s22 =	ssub.s32 s24, s25;
	s26 =	ssub.s32 $0xC8, s18;
	s23 =	smul.u32 $0xC8, s29  }
0x18: {  	v63 =	vld [tilespmem:s17+$0xFFFFFFC0];
	[tilespmem:s19+$0x1020 ss:$0x81] =	vst.msk $0xffff, v58;
	s27 =	sadd.s32 $0xFFFFFF39, s18;
	s18 =	smul.u32 $0x64, s26;
	s28 =	sadd.s32 $0xFFFFF080, s22  }
0x19: {  	[tilespmem:s19+$0x1830 ss:$0x81] =	vst.msk $0xffff, v59;
	p1 =	sgt.s32 s27, $0x0;
	s17 =	ssub.s32 $0x1000, s22;
	p2 =	sgt.s32 s28, $0x7F  }
0x1a: {  	s30 =	sand.u32 $0x7, s10;
	[tilespmem:s19+$0x2040 ss:$0x81] =	vst.msk $0xffff, v60;
	s18 =	simm.s32 @p1 $0x0;
	s17 =	simm.s32 @p2 $0x0  }
0x1b: {  	[tilespmem:s19+$0x2850 ss:$0x81] =	vst.msk $0xffff, v61;
	s29 =	sshrl.u32 s21, $0x3;
	s20 =	ssub.s32 s20, s23;
	s17 =	smul.u32 s17, s18  }
0x1c: {  	[tilespmem:s19+$0x3060 ss:$0x81] =	vst.msk $0xffff, v62;
	s21 =	sshll.u32 s30, $0x12;
	s20 =	sshll.u32 s20, $0x9;
	s18 =	sadd.s32 s3, s29  }
0x1d: {  	[tilespmem:s19+$0x0 ss:$0x81] =	vst.msk $0xffff, v63;
	s31 =	sor.u32 $0x80, s21;
	s18 =	sadd.s32 s20, s18;
	s17 =	sand.u32 $0x3FFFFFFC, s17  }
0x1e: {  	[hbm4b:s18+s31] =	stream.strided.scatter [tilespmem:s16], [sflag:$0x2], s17, s8, s31, $0x20;
	[tilespmem:$0x10100] =	vst v63  }
.LBB1_5:
0x1f: {  	p1 =	slt.u32 s13, $0x2  }
0x20: {  	s17 =	smov.u32 s15;
	p2 =	sgt.s32 @!p1 s15, $0xC7;
	s16 =	sshra.s32 @!p1 s15, $0x1F  }
0x21: {  	p3 =	sgt.s32 @!p1 s14, $0xF80;
	s18 =	sshra.s32 @!p1 s14, $0x1F;
	p2 =	por !p2, p1  }
0x22: {  	s15 =	sand.u32 @!p1 s16, s15;
	p3 =	por !p3, p1;
	s16 =	smov.u32 s14  }
0x23: {  	s14 =	sand.u32 @!p1 s18, s14;
	s17 =	simm.s32 @p2 $0xC7;
	s16 =	simm.s32 @p3 $0xF80  }
0x24: {  	s18 =	smov.u32 s12;
	s15 =	ssub.s32 @!p1 s17, s15;
	s14 =	ssub.s32 @!p1 s16, s14  }
0x25: {  	s16 =	sadd.s32 @!p1 $0xFFFFFF39, s15;
	s15 =	ssub.s32 @!p1 $0xC8, s15;
	s17 =	sadd.s32 @!p1 $0xFFFFF080, s14  }
0x26: {  	p2 =	sgt.s32 @!p1 s16, $0x0;
	s15 =	smul.u32 @!p1 $0x64, s15;
	p3 =	sgt.s32 @!p1 s17, $0x7F  }
0x27: {  	s14 =	ssub.s32 @!p1 $0x1000, s14;
	p2 =	por !p2, p1;
	p3 =	por !p3, p1  }
0x28: {  	s16 =	sadd.s32 $0x1, s11;
	s15 =	simm.s32 @!p2 $0x0;
	s14 =	simm.s32 @!p3 $0x0  }
0x29: {  	p2 =	sgt.s32 s16, $0xC7;
	s14 =	smul.u32 @!p1 s14, s15;
	s15 =	sadd.s32 $0x1000, s12  }
0x2a: {  	s18 =	smov.u32 @p2 s15  }
0x2b: {  	s16 =	simm.s32 @p2 $0x0;
	p2 =	sgt.s32 s18, $0xFFF  }
0x2c: {  	s18 =	smov.u32 @p2 s2;
	p2 =	sne.s32 s13, s7  }
.Ltmp1:
0x2d: {  	p0 =	por !p0, !p0;
	s17 =	simm.s32 @!p1 $0x2;
	(pc) =	sbr.rel @!p2 .LBB1_6-.Ltmp1, $4  }
0x2e: {  	s15 =	smov.u32 s9;
	s9 =	smov.u32 s11;
	s14 =	sand.u32 @!p1 $0x3FFFFFFC, s14  }
0x2f: {  	s11 =	smov.u32 s16;
	_ =	swait.ge @!p1 [sflag:s17], s14;
	s19 =	ssub.s32 @!p1 $0x0, s14  }
0x30: {  	s14 =	smov.u32 s10;
	s13 =	sadd.s32 $0x1, s13;
	[sflag:s17] =	ssyncset.done @!p1 $0x0  }
0x31: {  	s10 =	smov.u32 s12;
	s12 =	smov.u32 s18;
	[sflag:s17] =	ssyncadd.s32 @!p1 s19  }
.LBB1_1:
0x32: {  	p1 =	sge.u32 s13, s5  }
0x33: {  	s16 =	sand.u32 @!p1 $0x1FFFFFF, s11  }
0x34: {  	s17 =	smulhi.u32 @!p1 $0x147AE15, s16;
	_ =	sdelay $0x1  }
0x35: {  	s17 =	smul.u32 @!p1 $0xC8, s17  }
0x36: {  	s18 =	sxor.u32 @!p1 $0xFFFFFFFF, s13;
	s19 =	smul.u32 @!p1 $0xC80, s12  }
0x37: {  	s31 =	sadd.s32 $0xFFFFFFFF, s13;
	s18 =	sshll.u32 @!p1 s18, $0xE;
	s16 =	ssub.s32 @!p1 s16, s17  }
0x38: {  	s17 =	sand.u32 @!p1 $0x4000, s18;
	s18 =	sadd.s32 @!p1 s6, s19;
	s16 =	sshll.u32 @!p1 s16, $0x4  }
0x39: {  	s19 =	simm.s32 @!p1 $0x6400;
	s16 =	sadd.s32 @!p1 s16, s18;
	s18 =	simm.s32 @!p1 $0x80  }
0x3a: {  	[tilespmem:s17], [sflag:$0x1] =	stream.strided.gather @!p1 [hbm4b:s16+s18], $0x4000, s19, s18, $0x38;
	[tilespmem:$0x10100] =	vst v63  }
0x3b: {  	p1 =	sge.u32 s31, s5  }
.Ltmp2:
0x3c: {  	_ = 	snop;
	(pc) =	sbr.rel @p1 .LBB1_5-.Ltmp2, $1  }
0x3d: {  	_ =	sdelay $0x3  }
0x3e: {  	s16 =	simm.s32 $0x1  }
0x3f: {  	_ =	swait.ge [sflag:s4], $0x4000;
	s16 =	simm.s32 @!p0 $0x0  }
0x40: {  	[sflag:s4] =	ssyncset.done $0x0;
	s17 =	sshll.u32 s16, $0xE  }
0x41: {  	[sflag:s4] =	ssyncadd.s32 $0xFFFFC000;
	s17 =	sor.u32 $0x40, s17  }
0x42: {  	s16 =	smul.u32 $0x10200, s16;
	v0 =	vld [tilespmem:s17+$0x30]  }
0x43: {  	v1 =	vld [tilespmem:s17+$0xFFFFFFD0]  }
0x44: {  	s16 =	sshrl.u32 s16, $0x2;
	v5 =	vld [tilespmem:s17+$0xFFFFFFE0]  }
0x45: {  	v6 =	vld [tilespmem:s17+$0xFFFFFFF0];
	s19 =	sor.u32 $0x8000, s16  }
0x46: {  	s31 =	sand.u32 $0x1, s13;
	v4 =	vld [tilespmem:s17+$0x0];
	s18 =	sadd.s32 $0x0, s19  }
0x47: {  	v3 =	vld [tilespmem:s17+$0x10];
	s16 =	smul.u32 $0x10200, s31;
	[tilespmem:s18+$0x3870 ss:$0x81] =	vst.msk $0xffff, v0  }
0x48: {  	v2 =	vld [tilespmem:s17+$0x20];
	[tilespmem:s18+$0x810 ss:$0x81] =	vst.msk $0xffff, v1  }
0x49: {  	s16 =	sshrl.u32 s16, $0x2;
	v1 =	vld [tilespmem:s17+$0xFFFFFFC0];
	[tilespmem:s18+$0x1020 ss:$0x81] =	vst.msk $0xffff, v5;
	s17 =	sadd.s32 $0x80, s17  }
0x4a: {  	s20 =	simm.s32 $0x4;
	s21 =	simm.s32 $0x8;
	s16 =	sor.u32 $0x8000, s16;
	[tilespmem:s18+$0x1830 ss:$0x81] =	vst.msk $0xffff, v6;
	v0 =	vld [tilespmem:s17+$0x30]  }
.LBB1_3:
0x4b: {  	p1 =	sne.s32 s21, $0x1FC;
	v5 =	vld [tilespmem:s17+$0xFFFFFFD0];
	[tilespmem:s18+$0x2040 ss:$0x81] =	vst.msk $0xffff, v4  }
0x4c: {  	v6 =	vld [tilespmem:s17+$0xFFFFFFE0];
	[tilespmem:s18+$0x2850 ss:$0x81] =	vst.msk $0xffff, v3  }
0x4d: {  	s22 =	sshra.s32 s20, $0x2;
	s20 =	smov.u32 s21;
	v7 =	vld [tilespmem:s17+$0xFFFFFFF0];
	[tilespmem:s18+$0x3060 ss:$0x81] =	vst.msk $0xffff, v2  }
.Ltmp3:
0x4e: {  	v4 =	vld [tilespmem:s17+$0x0];
	[tilespmem:s18+$0x0 ss:$0x81] =	vst.msk $0xffff, v1;
	s18 =	sadd.s32 s22, s19;
	(pc) =	sbr.rel @p1 .LBB1_3-.Ltmp3, $4  }
0x4f: {  	v3 =	vld [tilespmem:s17+$0x10];
	[tilespmem:s18+$0x3870 ss:$0x81] =	vst.msk $0xffff, v0  }
0x50: {  	[tilespmem:s18+$0x810 ss:$0x81] =	vst.msk $0xffff, v5;
	v2 =	vld [tilespmem:s17+$0x20]  }
0x51: {  	v1 =	vld [tilespmem:s17+$0xFFFFFFC0];
	[tilespmem:s18+$0x1020 ss:$0x81] =	vst.msk $0xffff, v6;
	s17 =	sadd.s32 $0x80, s17  }
0x52: {  	s21 =	sadd.s32 $0x4, s21;
	v0 =	vld [tilespmem:s17+$0x30];
	[tilespmem:s18+$0x1830 ss:$0x81] =	vst.msk $0xffff, v7  }
.Ltmp4:
0x53: {  	_ = 	snop;
	(pc) =	sbr.rel .LBB1_4-.Ltmp4, $1  }
0x54: {  	_ =	sdelay $0x3  }
.LBB1_6:
0x55: {  	_ =	sfence.sel $0x180000  }
0x56: {  	s2 =	simm.s32 $0x1;
	[bflag:$0x0] =	sbarrier.arrive $0xFFFF  }
0x57: {  	s31 =	simm.s32 $0x2;
	[sflag:s2] =	ssyncpa.u1 $0x1  }
0x58: {  	[sflag:s31] =	ssyncpa.u1 $0x1  }
0x59: {  	p0 =	sne.s32 s0, $0x0;
	_ =	strace $0x9000004A  }
0x5a: {  	s0 =	sadd.s32 @!p0 $0x100000, s1;
	[bflag:$0x2] =	sbarrier.arrive $0xFFFF  }
0x5b: {  	[sflag:s0] =	ssyncadd.tile.s32 @!p0 $0x1;
	_ =	shalt  }
.Lfunc_end1:
_tile_overlayer_lowered:
.L_overlay_start_2:
0x5c: {  	(tag) =	ssettag $0x2  }
0x5d: {  	s0 =	rddreg [dreg:$0x0];
	s2 =	stileid.u32  }
0x5e: {  	s1 =	rddreg [dreg:$0x1];
	p0 =	sne.s32 s2, $0x0  }
0x5f: {  	s3 =	rddreg [dreg:$0x2];
	[bflag:$0x3] =	sbarrier.arrive $0xFFFF;
	s2 =	simm.s32 @!p0 $0x1C01  }
0x60: {  	[timem:s3], [sflag:s2] =	dma.local @!p0 [hbm:s0], s1  }
0x61: {  	s0 =	simm.s32 @!p0 $0x1  }
0x62: {  	_ =	swait.ge @!p0 [sflag:s0], s1  }
0x63: {  	s1 =	ssub.s32 @!p0 $0x0, s1;
	[sflag:s0] =	ssyncset.done @!p0 $0x0  }
0x64: {  	[sflag:s0] =	ssyncadd.s32 @!p0 s1  }
0x65: {  	[bflag:$0x3] =	sbarrier.arrive $0xFFFF  }
0x66: {  	_ =	shalt  }

</sc_bundles>
